<compile_context>
chip_gen: v7x
topology: tpu7x:2x2x1
jax: 0.10.2.dev20260603
libtpu: 0.0.44.dev20260713+nightly
codegen_flags: <defaults>
</compile_context>

<pallas_src>
import functools

import jax
import jax.numpy as jnp
from jax import lax
from jax.experimental import pallas as pl
from jax.experimental.pallas import tpu as pltpu
from jax.experimental.pallas import tpu_sc as plsc

N = 10000
E = 320000
NFEAT = 128
HIDDEN = 128
NCLASS = 16

NC = 2
NS = 16
NW = NC * NS
CHUNK = 128

NP = 10240
ROWS_PER_TILE = NP // NS
EPT = 10240
E_PAD = EPT * NW
NCH = EPT // CHUNK
DSEM = 8

ECHUNK = 64
NBUF = 4
LOOK = 2
ENCH0 = 320
TOTCH = NS * ENCH0

_mesh = plsc.VectorSubcoreMesh(core_axis_name="c", subcore_axis_name="s")


def _fill_2d(ref, rows, value):
    vec = jnp.full((16,), value, dtype=jnp.float32)

    def body(i, _):
        r = i // 8
        col = (i % 8) * 16
        ref[r, pl.ds(col, 16)] = vec
        return 0

    lax.fori_loop(0, rows * 8, body, 0)


@functools.partial(
    pl.kernel,
    mesh=_mesh,
    out_type=jax.ShapeDtypeStruct((NC * NP,), jnp.float32),
    scratch_types=[
        pltpu.VMEM((CHUNK,), jnp.float32),
        pltpu.VMEM((NCH, CHUNK), jnp.int32),
        pltpu.VMEM((ROWS_PER_TILE,), jnp.float32),
        pltpu.VMEM_SHARED((NP,), jnp.float32),
    ] + [pltpu.SemaphoreType.DMA] * DSEM,
)
def _deg_kernel(dst_hbm, out_hbm, ones_v, idx_v, zero_v, acc_sh, *sems):
    c = lax.axis_index("c")
    s = lax.axis_index("s")
    wid = s * NC + c
    one = jnp.full((16,), 1.0, dtype=jnp.float32)
    zero = jnp.zeros((16,), dtype=jnp.float32)

    def fill_ones(i, _):
        ones_v[pl.ds(i * 16, 16)] = one
        return 0

    lax.fori_loop(0, CHUNK // 16, fill_ones, 0)

    def fill_zero(i, _):
        zero_v[pl.ds(i * 16, 16)] = zero
        return 0

    lax.fori_loop(0, ROWS_PER_TILE // 16, fill_zero, 0)
    pltpu.sync_copy(zero_v, acc_sh.at[pl.ds(s * ROWS_PER_TILE, ROWS_PER_TILE)])
    pltpu.sync_copy(dst_hbm.at[wid], idx_v)
    plsc.subcore_barrier()

    def grp_body(grp, _):
        for b in range(DSEM):
            i = grp * DSEM + b

            @pl.when(i >= DSEM)
            def _():
                pltpu.make_async_copy(ones_v, acc_sh.at[idx_v.at[0]],
                                      sems[b]).wait()

            pltpu.async_copy(ones_v, acc_sh.at[idx_v.at[i]], sems[b],
                             add=True)
        return 0

    lax.fori_loop(0, NCH // DSEM, grp_body, 0)
    for b in range(DSEM):
        pltpu.make_async_copy(ones_v, acc_sh.at[idx_v.at[0]], sems[b]).wait()
    plsc.subcore_barrier()

    row0 = s * ROWS_PER_TILE
    pltpu.sync_copy(
        acc_sh.at[pl.ds(row0, ROWS_PER_TILE)],
        out_hbm.at[pl.ds(c * NP + row0, ROWS_PER_TILE)],
    )


@functools.partial(
    pl.kernel,
    mesh=_mesh,
    out_type=jax.ShapeDtypeStruct((NP, HIDDEN), jnp.float32),
    scratch_types=[pltpu.VMEM((ECHUNK, HIDDEN), jnp.float32)] * NBUF
      + [pltpu.VMEM((ECHUNK,), jnp.int32)] * NBUF
      + [pltpu.VMEM((ECHUNK,), jnp.int32)] * NBUF
      + [pltpu.VMEM((ECHUNK,), jnp.int32)] * NBUF
      + [pltpu.VMEM_SHARED((NP, HIDDEN), jnp.float32)]
      + [pltpu.SemaphoreType.DMA] * (3 * NBUF),
)
def _edge_kernel(g_hbm, pk_hbm, out_hbm, *rest):
    rows = list(rest[:NBUF])
    pk_r = list(rest[NBUF:2 * NBUF])
    idxs_r = list(rest[2 * NBUF:3 * NBUF])
    idxd_r = list(rest[3 * NBUF:4 * NBUF])
    acc_sh = rest[4 * NBUF]
    sems = rest[4 * NBUF + 1:]
    gsem = sems[:NBUF]
    ssem = sems[NBUF:2 * NBUF]
    isem = sems[2 * NBUF:]
    c = lax.axis_index("c")
    s = lax.axis_index("s")
    nch = ENCH0
    base_ch = s * ENCH0
    row0 = s * ROWS_PER_TILE
    NZ = ROWS_PER_TILE // ECHUNK

    @pl.when(c == 0)
    def _core0_body():
        _fill_2d(rows[0], ECHUNK, 0.0)

        def zbody(i, _):
            pltpu.async_copy(rows[0],
                             acc_sh.at[pl.ds(row0 + i * ECHUNK, ECHUNK), :],
                             gsem[0])
            return 0

        lax.fori_loop(0, NZ, zbody, 0)

        def zdrain(i, _):
            pltpu.make_async_copy(
                rows[0], acc_sh.at[pl.ds(row0, ECHUNK), :], gsem[0]).wait()
            return 0

        for b in range(NBUF):
            pltpu.async_copy(pk_hbm.at[base_ch + b], pk_r[b], isem[b])
        lax.fori_loop(0, NZ, zdrain, 0)

    plsc.subcore_barrier()

    def unpack(j, b):
        pltpu.make_async_copy(pk_hbm.at[base_ch], pk_r[b], isem[b]).wait()

        def ub(k, _):
            v = pk_r[b][pl.ds(k * 16, 16)]
            idxs_r[b][pl.ds(k * 16, 16)] = lax.bitwise_and(v, 0x3FFF)
            idxd_r[b][pl.ds(k * 16, 16)] = lax.shift_right_logical(v, 14)
            return 0

        lax.fori_loop(0, ECHUNK // 16, ub, 0)

        @pl.when(j + NBUF < nch)
        def _():
            pltpu.async_copy(pk_hbm.at[base_ch + j + NBUF], pk_r[b], isem[b])

    def scatter_wait(b):
        pltpu.make_async_copy(rows[b], acc_sh.at[idxd_r[b]], ssem[b]).wait()

    def gather_wait(b):
        pltpu.make_async_copy(g_hbm.at[idxs_r[b]], rows[b], gsem[b]).wait()

    @pl.when(c == 0)
    def _core0_edges():
        for b in range(LOOK):
            unpack(b, b)
            pltpu.async_copy(g_hbm.at[idxs_r[b]], rows[b], gsem[b])

        def grp_body(grp, _):
            for b in range(NBUF):
                i = grp * NBUF + b
                bl = (b + LOOK) % NBUF

                @pl.when(i + LOOK < nch)
                def _():
                    @pl.when(i + LOOK >= NBUF)
                    def _():
                        scatter_wait(bl)

                    unpack(i + LOOK, bl)
                    pltpu.async_copy(g_hbm.at[idxs_r[bl]], rows[bl], gsem[bl])

                gather_wait(b)
                pltpu.async_copy(rows[b], acc_sh.at[idxd_r[b]], ssem[b],
                                 add=True)
            return 0

        lax.fori_loop(0, nch // NBUF, grp_body, 0)
        for b in range(NBUF):
            scatter_wait(b)

    plsc.subcore_barrier()

    @pl.when(c == 0)
    def _core0_out():
        def obody(i, _):
            r = row0 + i * ECHUNK
            pltpu.async_copy(acc_sh.at[pl.ds(r, ECHUNK), :],
                             out_hbm.at[pl.ds(r, ECHUNK), :], gsem[0])
            return 0

        lax.fori_loop(0, NZ, obody, 0)

        def odrain(i, _):
            pltpu.make_async_copy(
                acc_sh.at[pl.ds(row0, ECHUNK), :],
                out_hbm.at[pl.ds(row0, ECHUNK), :], gsem[0]).wait()
            return 0

        lax.fori_loop(0, NZ, odrain, 0)


BR = 640


def _dense1_body(cnt_ref, x_ref, w1_ref, g_ref, dinv_ref):
    deg = cnt_ref[0] + cnt_ref[1] + 1.0
    dinv = lax.rsqrt(deg)
    h = jnp.dot(x_ref[...], w1_ref[...], preferred_element_type=jnp.float32)
    g_ref[...] = h * dinv
    dinv_ref[...] = dinv


def _dense1(cnt, x_pad, W1):
    return pl.pallas_call(
        _dense1_body,
        grid=(NP // BR,),
        in_specs=[
            pl.BlockSpec((2, BR, 1), lambda i: (0, i, 0)),
            pl.BlockSpec((BR, NFEAT), lambda i: (i, 0)),
            pl.BlockSpec((NFEAT, HIDDEN), lambda i: (0, 0)),
        ],
        out_specs=[
            pl.BlockSpec((BR, HIDDEN), lambda i: (i, 0)),
            pl.BlockSpec((BR, 1), lambda i: (i, 0)),
        ],
        out_shape=[
            jax.ShapeDtypeStruct((NP, HIDDEN), jnp.float32),
            jax.ShapeDtypeStruct((NP, 1), jnp.float32),
        ],
    )(cnt, x_pad, W1)


def _dense2_body(p_ref, g_ref, dinv_ref, b1_ref, w2_ref, b2_ref, o_ref):
    agg = (p_ref[...] + g_ref[...]) * dinv_ref[...]
    h1 = jnp.maximum(agg + b1_ref[...], 0.0)
    o = jnp.dot(h1, w2_ref[...], preferred_element_type=jnp.float32)
    o_ref[...] = jnp.maximum(o + b2_ref[...], 0.0)


def _dense2(p, g, dinv, b1, W2p, b2p):
    return pl.pallas_call(
        _dense2_body,
        grid=(NP // BR,),
        in_specs=[
            pl.BlockSpec((BR, HIDDEN), lambda i: (i, 0)),
            pl.BlockSpec((BR, HIDDEN), lambda i: (i, 0)),
            pl.BlockSpec((BR, 1), lambda i: (i, 0)),
            pl.BlockSpec((1, HIDDEN), lambda i: (0, 0)),
            pl.BlockSpec((HIDDEN, HIDDEN), lambda i: (0, 0)),
            pl.BlockSpec((1, HIDDEN), lambda i: (0, 0)),
        ],
        out_specs=pl.BlockSpec((BR, HIDDEN), lambda i: (i, 0)),
        out_shape=jax.ShapeDtypeStruct((NP, HIDDEN), jnp.float32),
    )(p, g, dinv, b1, W2p, b2p)


@jax.jit
def kernel(x, edge_index, W1, b1, W2, b2):
    src = edge_index[0]
    dst = edge_index[1]
    npad = E_PAD - E
    spread = jnp.arange(npad, dtype=jnp.int32)
    src_pad = jnp.concatenate([src, jnp.full((npad,), N, dtype=jnp.int32)])
    dst_deg = jnp.concatenate([dst, N + spread % (NP - N)])
    dst_edge = jnp.concatenate([dst, spread % N])
    dst3 = dst_deg.reshape(NW, NCH, CHUNK)
    packed2 = (src_pad | (dst_edge << 14)).reshape(TOTCH, ECHUNK)
    x_pad = jnp.pad(x, ((0, NP - N), (0, 0)))

    cnt = _deg_kernel(dst3).reshape(NC, NP, 1)
    g, dinv = _dense1(cnt, x_pad, W1)
    p = _edge_kernel(g, packed2)

    b1r = b1.reshape(1, HIDDEN)
    W2p = jnp.pad(W2, ((0, 0), (0, HIDDEN - NCLASS)))
    b2p = jnp.pad(b2, (0, HIDDEN - NCLASS)).reshape(1, HIDDEN)
    out = _dense2(p, g, dinv, b1r, W2p, b2p)
    return out[:N, :NCLASS]

# --- scband reference (transcript-rebuilt; emitter-appended) ---
"""Pipeline reference for scband-mycluster-73607149519599 (READ-ONLY COPY).

The authoritative reference and input builder live on the scoring server;
editing this copy changes nothing except your own understanding.
"""

import jax, jax.numpy as jnp
import numpy as np

N = 10000
E = 320000
NFEAT = 128
HIDDEN = 128
NCLASS = 16


def setup_inputs(seed: int = 0) -> dict:
    key = jax.random.key(seed)
    ks = jax.random.split(key, 6)
    x = jax.random.normal(ks[0], (N, NFEAT), dtype=jnp.float32)
    edge_index = jax.random.randint(ks[1], (2, E), 0, N, dtype=jnp.int32)
    W1 = jax.random.normal(ks[2], (NFEAT, HIDDEN), dtype=jnp.float32) * (1.0 / np.sqrt(NFEAT))
    b1 = jnp.zeros((HIDDEN,), dtype=jnp.float32)
    W2 = jax.random.normal(ks[3], (HIDDEN, NCLASS), dtype=jnp.float32) * (1.0 / np.sqrt(HIDDEN))
    b2 = jnp.zeros((NCLASS,), dtype=jnp.float32)
    return {"x": x, "edge_index": edge_index, "W1": W1, "b1": b1, "W2": W2, "b2": b2}


def reference(x, edge_index, W1, b1, W2, b2):
    # GCNConv (PyG semantics): add self-loops, symmetric normalization,
    # x' = D^{-1/2} (A + I) D^{-1/2} X W + b
    src = edge_index[0]
    dst = edge_index[1]
    loop = jnp.arange(N, dtype=src.dtype)
    src = jnp.concatenate([src, loop], axis=0)
    dst = jnp.concatenate([dst, loop], axis=0)
    deg = jax.ops.segment_sum(jnp.ones_like(dst, dtype=jnp.float32), dst, num_segments=N)
    deg_inv_sqrt = jnp.where(deg > 0, jax.lax.rsqrt(jnp.maximum(deg, 1e-12)), 0.0)
    norm = deg_inv_sqrt[src] * deg_inv_sqrt[dst]
    h = x @ W1                                  # dense transform first (standard GCNConv)
    msg = jnp.take(h, src, axis=0) * norm[:, None]   # gather over edges
    agg = jax.ops.segment_sum(msg, dst, num_segments=N)  # scatter-add to dst nodes
    h1 = jax.nn.relu(agg + b1)
    out = jax.nn.relu(h1 @ W2 + b2)             # mlp2 + final relu
    return out

if __name__ == "__main__":
    import jax
    _d = setup_inputs()
    print(jax.jit(kernel)(*tuple(_d.values())))

</pallas_src>

<mosaic_0001>
#map = affine_map<(d0, d1) -> (0, 0, 0)>
#map1 = affine_map<(d0, d1) -> (0)>
module attributes {stable_mosaic.version = 14 : i64} {
  func.func @_deg_kernel(%arg0: i32, %arg1: i32, %arg2: memref<32x80x128xi32, #tpu.memory_space<hbm>>, %arg3: memref<20480xf32, #tpu.memory_space<hbm>>, %arg4: memref<128xf32, #tpu.memory_space<vmem>>, %arg5: memref<80x128xi32, #tpu.memory_space<vmem>>, %arg6: memref<640xf32, #tpu.memory_space<vmem>>, %arg7: memref<10240xf32, #tpu.memory_space<vmem_shared>>, %arg8: memref<!tpu.dma_semaphore, #tpu.memory_space<semaphore_mem>>, %arg9: memref<!tpu.dma_semaphore, #tpu.memory_space<semaphore_mem>>, %arg10: memref<!tpu.dma_semaphore, #tpu.memory_space<semaphore_mem>>, %arg11: memref<!tpu.dma_semaphore, #tpu.memory_space<semaphore_mem>>, %arg12: memref<!tpu.dma_semaphore, #tpu.memory_space<semaphore_mem>>, %arg13: memref<!tpu.dma_semaphore, #tpu.memory_space<semaphore_mem>>, %arg14: memref<!tpu.dma_semaphore, #tpu.memory_space<semaphore_mem>>, %arg15: memref<!tpu.dma_semaphore, #tpu.memory_space<semaphore_mem>>) attributes {dimension_semantics = [#tpu.dimension_semantics<core_parallel>, #tpu.dimension_semantics<subcore_parallel>], iteration_bounds = array<i64: 2, 16>, scalar_prefetch = 0 : i64, scratch_operands = 12 : i64, tpu.core_type = #tpu.core_type<sc_vector_subcore>, window_params = [{transform_indices = #map}, {transform_indices = #map1}]} {
    %mul3A = arith.constant 2 : i32
    %mul3A_0 = arith.muli %arg1, %mul3A : i32
    %add3A = arith.addi %mul3A_0, %arg0 : i32
    %broadcast_in_dim3A = arith.constant 1.000000e+00 : f32
    %broadcast_in_dim3A_1 = vector.broadcast %broadcast_in_dim3A : f32 to vector<16xf32>
    %broadcast_in_dim3A_2 = arith.constant 0.000000e+00 : f32
    %broadcast_in_dim3A_3 = vector.broadcast %broadcast_in_dim3A_2 : f32 to vector<16xf32>
    %scan3A = arith.constant 0 : i32
    %scan3A_4 = arith.constant 0 : i32
    %scan3A_5 = arith.constant 8 : i32
    %scan3A_6 = arith.addi %scan3A_4, %scan3A_5 : i32
    %scan3A_7 = arith.constant 1 : i32
    %scan3A_8 = scf.for %scan3A_79 = %scan3A_4 to %scan3A_6 step %scan3A_7 iter_args(%scan3A_80 = %scan3A) -> (i32)  : i32 {
      %mul3A_81 = arith.constant 16 : i32
      %mul3A_82 = arith.muli %scan3A_79, %mul3A_81 : i32
      %swap3A = arith.index_cast %mul3A_82 : i32 to index
      %swap3A_83 = tpu.vector_load %arg4[%swap3A] {strides = array<i32>} : memref<128xf32, #tpu.memory_space<vmem>>, vector<16xf32>,
      %swap3A_84 = vector.shape_cast %swap3A_83 : vector<16xf32> to vector<16xf32>
      %swap3A_85 = vector.shape_cast %broadcast_in_dim3A_1 : vector<16xf32> to vector<16xf32>
      tpu.vector_store %arg4[%swap3A], %swap3A_85 {strides = array<i32>} : memref<128xf32, #tpu.memory_space<vmem>>, vector<16xf32>,
      %scan3A_86 = arith.constant 0 : i32
      scf.yield %scan3A_86 : i32
    }
    %scan3A_9 = arith.constant 8 : i32
    %scan3A_10 = arith.constant 0 : i32
    %scan3A_11 = arith.constant 0 : i32
    %scan3A_12 = arith.constant 40 : i32
    %scan3A_13 = arith.addi %scan3A_11, %scan3A_12 : i32
    %scan3A_14 = arith.constant 1 : i32
    %scan3A_15 = scf.for %scan3A_79 = %scan3A_11 to %scan3A_13 step %scan3A_14 iter_args(%scan3A_80 = %scan3A_10) -> (i32)  : i32 {
      %mul3A_81 = arith.constant 16 : i32
      %mul3A_82 = arith.muli %scan3A_79, %mul3A_81 : i32
      %swap3A = arith.index_cast %mul3A_82 : i32 to index
      %swap3A_83 = tpu.vector_load %arg6[%swap3A] {strides = array<i32>} : memref<640xf32, #tpu.memory_space<vmem>>, vector<16xf32>,
      %swap3A_84 = vector.shape_cast %swap3A_83 : vector<16xf32> to vector<16xf32>
      %swap3A_85 = vector.shape_cast %broadcast_in_dim3A_3 : vector<16xf32> to vector<16xf32>
      tpu.vector_store %arg6[%swap3A], %swap3A_85 {strides = array<i32>} : memref<640xf32, #tpu.memory_space<vmem>>, vector<16xf32>,
      %scan3A_86 = arith.constant 0 : i32
      scf.yield %scan3A_86 : i32
    }
    %scan3A_16 = arith.constant 40 : i32
    %mul3A_17 = arith.constant 640 : i32
    %mul3A_18 = arith.muli %arg1, %mul3A_17 : i32
    "tpu.region"() ({
      %run_scoped3A = tpu.sem_alloc : memref<!tpu.dma_semaphore, #tpu.memory_space<semaphore_mem>>
      %dma_start3A = tpu.memref_slice %arg7[%mul3A_18] : memref<10240xf32, #tpu.memory_space<vmem_shared>> -> memref<640xf32, #tpu.memory_space<vmem_shared>>
      %dma_start3A_79 = tpu.memref_slice %arg7[%mul3A_18] : memref<10240xf32, #tpu.memory_space<vmem_shared>> -> memref<640xf32, #tpu.memory_space<vmem_shared>>
      tpu.enqueue_dma source(%arg6 : memref<640xf32, #tpu.memory_space<vmem>>) target(%dma_start3A_79 : memref<640xf32, #tpu.memory_space<vmem_shared>>) target_semaphore(%run_scoped3A : memref<!tpu.dma_semaphore, #tpu.memory_space<semaphore_mem>>)
      %dma_wait3A_80 = tpu.memref_slice %arg7[%mul3A_18] : memref<10240xf32, #tpu.memory_space<vmem_shared>> -> memref<640xf32, #tpu.memory_space<vmem_shared>>
      %dma_wait3A_81 = tpu.memref_slice %arg7[%mul3A_18] : memref<10240xf32, #tpu.memory_space<vmem_shared>> -> memref<640xf32, #tpu.memory_space<vmem_shared>>
      tpu.wait_dma2 semaphore(%run_scoped3A : memref<!tpu.dma_semaphore, #tpu.memory_space<semaphore_mem>>) src(%arg6 : memref<640xf32, #tpu.memory_space<vmem>>) dst(%dma_wait3A_81 : memref<640xf32, #tpu.memory_space<vmem_shared>>)
      tpu.yield
    }) : () -> ()
    "tpu.region"() ({
      %run_scoped3A = tpu.sem_alloc : memref<!tpu.dma_semaphore, #tpu.memory_space<semaphore_mem>>
      %dma_start3A = arith.constant 0 : i32
      %dma_start3A_79 = arith.constant 0 : i32
      %dma_start3A_80 = tpu.memref_slice %arg2[%add3A, %dma_start3A, %dma_start3A_79] : memref<32x80x128xi32, #tpu.memory_space<hbm>> -> memref<1x80x128xi32, #tpu.memory_space<hbm>>
      %dma_start3A_81 = tpu.memref_squeeze %dma_start3A_80 : memref<1x80x128xi32, #tpu.memory_space<hbm>> -> memref<80x128xi32, #tpu.memory_space<hbm>>
      %dma_start3A_82 = arith.constant 0 : i32
      %dma_start3A_83 = arith.constant 0 : i32
      %dma_start3A_84 = tpu.memref_slice %arg2[%add3A, %dma_start3A_82, %dma_start3A_83] : memref<32x80x128xi32, #tpu.memory_space<hbm>> -> memref<1x80x128xi32, #tpu.memory_space<hbm>>
      %dma_start3A_85 = tpu.memref_squeeze %dma_start3A_84 : memref<1x80x128xi32, #tpu.memory_space<hbm>> -> memref<80x128xi32, #tpu.memory_space<hbm>>
      tpu.enqueue_dma source(%dma_start3A_85 : memref<80x128xi32, #tpu.memory_space<hbm>>) target(%arg5 : memref<80x128xi32, #tpu.memory_space<vmem>>) target_semaphore(%run_scoped3A : memref<!tpu.dma_semaphore, #tpu.memory_space<semaphore_mem>>)
      %dma_wait3A_86 = arith.constant 0 : i32
      %dma_wait3A_87 = arith.constant 0 : i32
      %dma_wait3A_88 = tpu.memref_slice %arg2[%add3A, %dma_wait3A_86, %dma_wait3A_87] : memref<32x80x128xi32, #tpu.memory_space<hbm>> -> memref<1x80x128xi32, #tpu.memory_space<hbm>>
      %dma_wait3A_89 = tpu.memref_squeeze %dma_wait3A_88 : memref<1x80x128xi32, #tpu.memory_space<hbm>> -> memref<80x128xi32, #tpu.memory_space<hbm>>
      %dma_wait3A_90 = arith.constant 0 : i32
      %dma_wait3A_91 = arith.constant 0 : i32
      %dma_wait3A_92 = tpu.memref_slice %arg2[%add3A, %dma_wait3A_90, %dma_wait3A_91] : memref<32x80x128xi32, #tpu.memory_space<hbm>> -> memref<1x80x128xi32, #tpu.memory_space<hbm>>
      %dma_wait3A_93 = tpu.memref_squeeze %dma_wait3A_92 : memref<1x80x128xi32, #tpu.memory_space<hbm>> -> memref<80x128xi32, #tpu.memory_space<hbm>>
      tpu.wait_dma2 semaphore(%run_scoped3A : memref<!tpu.dma_semaphore, #tpu.memory_space<semaphore_mem>>) src(%dma_wait3A_93 : memref<80x128xi32, #tpu.memory_space<hbm>>) dst(%arg5 : memref<80x128xi32, #tpu.memory_space<vmem>>)
      tpu.yield
    }) : () -> ()
    %barrier3A = arith.constant 0 : index
    tpu.barrier barrier_id(%barrier3A)
    %scan3A_19 = arith.constant 0 : i32
    %scan3A_20 = arith.constant 0 : i32
    %scan3A_21 = arith.constant 10 : i32
    %scan3A_22 = arith.addi %scan3A_20, %scan3A_21 : i32
    %scan3A_23 = arith.constant 1 : i32
    %scan3A_24 = scf.for %scan3A_79 = %scan3A_20 to %scan3A_22 step %scan3A_23 iter_args(%scan3A_80 = %scan3A_19) -> (i32)  : i32 {
      %mul3A_81 = arith.constant 8 : i32
      %mul3A_82 = arith.muli %scan3A_79, %mul3A_81 : i32
      %add3A_83 = arith.constant 0 : i32
      %add3A_84 = arith.addi %mul3A_82, %add3A_83 : i32
      %ge3A = arith.constant 8 : i32
      %ge3A_85 = arith.cmpi sge, %add3A_84, %ge3A : i32
      %convert_element_type3A = arith.extui %ge3A_85 : i1 to i32
      %cond3A = arith.constant 0 : i32
      %cond3A_86 = arith.cmpi ne, %convert_element_type3A, %cond3A : i32
      scf.if %cond3A_86 {
        %dma_wait3A_190 = arith.constant 0 : i32
        %dma_wait3A_191 = arith.constant 0 : i32
        %dma_wait3A_192 = tpu.memref_slice %arg5[%dma_wait3A_190, %dma_wait3A_191] : memref<80x128xi32, #tpu.memory_space<vmem>> -> memref<1x128xi32, #tpu.memory_space<vmem>>
        %dma_wait3A_193 = tpu.memref_squeeze %dma_wait3A_192 : memref<1x128xi32, #tpu.memory_space<vmem>> -> memref<128xi32, #tpu.memory_space<vmem>>
        %dma_wait3A_194 = arith.constant 0 : i32
        %dma_wait3A_195 = tpu.memref_slice %arg7[%dma_wait3A_194] : memref<10240xf32, #tpu.memory_space<vmem_shared>> -> memref<10240xf32, #tpu.memory_space<vmem_shared>>
        tpu.wait_indirect_dma semaphore(%arg8 : memref<!tpu.dma_semaphore, #tpu.memory_space<semaphore_mem>>) src(%arg4 : memref<128xf32, #tpu.memory_space<vmem>>) dst(%dma_wait3A_195 : memref<10240xf32, #tpu.memory_space<vmem_shared>>)
      } else {
      }
      %dma_start3A = arith.constant 0 : i32
      %dma_start3A_87 = tpu.memref_slice %arg5[%add3A_84, %dma_start3A] : memref<80x128xi32, #tpu.memory_space<vmem>> -> memref<1x128xi32, #tpu.memory_space<vmem>>
      %dma_start3A_88 = tpu.memref_squeeze %dma_start3A_87 : memref<1x128xi32, #tpu.memory_space<vmem>> -> memref<128xi32, #tpu.memory_space<vmem>>
      %dma_start3A_89 = arith.constant 0 : i32
      %dma_start3A_90 = tpu.memref_slice %arg7[%dma_start3A_89] : memref<10240xf32, #tpu.memory_space<vmem_shared>> -> memref<10240xf32, #tpu.memory_space<vmem_shared>>
      tpu.enqueue_indirect_dma source(%arg4 : memref<128xf32, #tpu.memory_space<vmem>>) target(%dma_start3A_90 : memref<10240xf32, #tpu.memory_space<vmem_shared>>) offsets(%dma_start3A_88 : memref<128xi32, #tpu.memory_space<vmem>>) semaphore(%arg8 : memref<!tpu.dma_semaphore, #tpu.memory_space<semaphore_mem>>) {add = true}
      %mul3A_91 = arith.constant 8 : i32
      %mul3A_92 = arith.muli %scan3A_79, %mul3A_91 : i32
      %add3A_93 = arith.constant 1 : i32
      %add3A_94 = arith.addi %mul3A_92, %add3A_93 : i32
      %ge3A_95 = arith.constant 8 : i32
      %ge3A_96 = arith.cmpi sge, %add3A_94, %ge3A_95 : i32
      %convert_element_type3A_97 = arith.extui %ge3A_96 : i1 to i32
      %cond3A_98 = arith.constant 0 : i32
      %cond3A_99 = arith.cmpi ne, %convert_element_type3A_97, %cond3A_98 : i32
      scf.if %cond3A_99 {
        %dma_wait3A_190 = arith.constant 0 : i32
        %dma_wait3A_191 = arith.constant 0 : i32
        %dma_wait3A_192 = tpu.memref_slice %arg5[%dma_wait3A_190, %dma_wait3A_191] : memref<80x128xi32, #tpu.memory_space<vmem>> -> memref<1x128xi32, #tpu.memory_space<vmem>>
        %dma_wait3A_193 = tpu.memref_squeeze %dma_wait3A_192 : memref<1x128xi32, #tpu.memory_space<vmem>> -> memref<128xi32, #tpu.memory_space<vmem>>
        %dma_wait3A_194 = arith.constant 0 : i32
        %dma_wait3A_195 = tpu.memref_slice %arg7[%dma_wait3A_194] : memref<10240xf32, #tpu.memory_space<vmem_shared>> -> memref<10240xf32, #tpu.memory_space<vmem_shared>>
        tpu.wait_indirect_dma semaphore(%arg9 : memref<!tpu.dma_semaphore, #tpu.memory_space<semaphore_mem>>) src(%arg4 : memref<128xf32, #tpu.memory_space<vmem>>) dst(%dma_wait3A_195 : memref<10240xf32, #tpu.memory_space<vmem_shared>>)
      } else {
      }
      %dma_start3A_100 = arith.constant 0 : i32
      %dma_start3A_101 = tpu.memref_slice %arg5[%add3A_94, %dma_start3A_100] : memref<80x128xi32, #tpu.memory_space<vmem>> -> memref<1x128xi32, #tpu.memory_space<vmem>>
      %dma_start3A_102 = tpu.memref_squeeze %dma_start3A_101 : memref<1x128xi32, #tpu.memory_space<vmem>> -> memref<128xi32, #tpu.memory_space<vmem>>
      %dma_start3A_103 = arith.constant 0 : i32
      %dma_start3A_104 = tpu.memref_slice %arg7[%dma_start3A_103] : memref<10240xf32, #tpu.memory_space<vmem_shared>> -> memref<10240xf32, #tpu.memory_space<vmem_shared>>
      tpu.enqueue_indirect_dma source(%arg4 : memref<128xf32, #tpu.memory_space<vmem>>) target(%dma_start3A_104 : memref<10240xf32, #tpu.memory_space<vmem_shared>>) offsets(%dma_start3A_102 : memref<128xi32, #tpu.memory_space<vmem>>) semaphore(%arg9 : memref<!tpu.dma_semaphore, #tpu.memory_space<semaphore_mem>>) {add = true}
      %mul3A_105 = arith.constant 8 : i32
      %mul3A_106 = arith.muli %scan3A_79, %mul3A_105 : i32
      %add3A_107 = arith.constant 2 : i32
      %add3A_108 = arith.addi %mul3A_106, %add3A_107 : i32
      %ge3A_109 = arith.constant 8 : i32
      %ge3A_110 = arith.cmpi sge, %add3A_108, %ge3A_109 : i32
      %convert_element_type3A_111 = arith.extui %ge3A_110 : i1 to i32
      %cond3A_112 = arith.constant 0 : i32
      %cond3A_113 = arith.cmpi ne, %convert_element_type3A_111, %cond3A_112 : i32
      scf.if %cond3A_113 {
        %dma_wait3A_190 = arith.constant 0 : i32
        %dma_wait3A_191 = arith.constant 0 : i32
        %dma_wait3A_192 = tpu.memref_slice %arg5[%dma_wait3A_190, %dma_wait3A_191] : memref<80x128xi32, #tpu.memory_space<vmem>> -> memref<1x128xi32, #tpu.memory_space<vmem>>
        %dma_wait3A_193 = tpu.memref_squeeze %dma_wait3A_192 : memref<1x128xi32, #tpu.memory_space<vmem>> -> memref<128xi32, #tpu.memory_space<vmem>>
        %dma_wait3A_194 = arith.constant 0 : i32
        %dma_wait3A_195 = tpu.memref_slice %arg7[%dma_wait3A_194] : memref<10240xf32, #tpu.memory_space<vmem_shared>> -> memref<10240xf32, #tpu.memory_space<vmem_shared>>
        tpu.wait_indirect_dma semaphore(%arg10 : memref<!tpu.dma_semaphore, #tpu.memory_space<semaphore_mem>>) src(%arg4 : memref<128xf32, #tpu.memory_space<vmem>>) dst(%dma_wait3A_195 : memref<10240xf32, #tpu.memory_space<vmem_shared>>)
      } else {
      }
      %dma_start3A_114 = arith.constant 0 : i32
      %dma_start3A_115 = tpu.memref_slice %arg5[%add3A_108, %dma_start3A_114] : memref<80x128xi32, #tpu.memory_space<vmem>> -> memref<1x128xi32, #tpu.memory_space<vmem>>
      %dma_start3A_116 = tpu.memref_squeeze %dma_start3A_115 : memref<1x128xi32, #tpu.memory_space<vmem>> -> memref<128xi32, #tpu.memory_space<vmem>>
      %dma_start3A_117 = arith.constant 0 : i32
      %dma_start3A_118 = tpu.memref_slice %arg7[%dma_start3A_117] : memref<10240xf32, #tpu.memory_space<vmem_shared>> -> memref<10240xf32, #tpu.memory_space<vmem_shared>>
      tpu.enqueue_indirect_dma source(%arg4 : memref<128xf32, #tpu.memory_space<vmem>>) target(%dma_start3A_118 : memref<10240xf32, #tpu.memory_space<vmem_shared>>) offsets(%dma_start3A_116 : memref<128xi32, #tpu.memory_space<vmem>>) semaphore(%arg10 : memref<!tpu.dma_semaphore, #tpu.memory_space<semaphore_mem>>) {add = true}
      %mul3A_119 = arith.constant 8 : i32
      %mul3A_120 = arith.muli %scan3A_79, %mul3A_119 : i32
      %add3A_121 = arith.constant 3 : i32
      %add3A_122 = arith.addi %mul3A_120, %add3A_121 : i32
      %ge3A_123 = arith.constant 8 : i32
      %ge3A_124 = arith.cmpi sge, %add3A_122, %ge3A_123 : i32
      %convert_element_type3A_125 = arith.extui %ge3A_124 : i1 to i32
      %cond3A_126 = arith.constant 0 : i32
      %cond3A_127 = arith.cmpi ne, %convert_element_type3A_125, %cond3A_126 : i32
      scf.if %cond3A_127 {
        %dma_wait3A_190 = arith.constant 0 : i32
        %dma_wait3A_191 = arith.constant 0 : i32
        %dma_wait3A_192 = tpu.memref_slice %arg5[%dma_wait3A_190, %dma_wait3A_191] : memref<80x128xi32, #tpu.memory_space<vmem>> -> memref<1x128xi32, #tpu.memory_space<vmem>>
        %dma_wait3A_193 = tpu.memref_squeeze %dma_wait3A_192 : memref<1x128xi32, #tpu.memory_space<vmem>> -> memref<128xi32, #tpu.memory_space<vmem>>
        %dma_wait3A_194 = arith.constant 0 : i32
        %dma_wait3A_195 = tpu.memref_slice %arg7[%dma_wait3A_194] : memref<10240xf32, #tpu.memory_space<vmem_shared>> -> memref<10240xf32, #tpu.memory_space<vmem_shared>>
        tpu.wait_indirect_dma semaphore(%arg11 : memref<!tpu.dma_semaphore, #tpu.memory_space<semaphore_mem>>) src(%arg4 : memref<128xf32, #tpu.memory_space<vmem>>) dst(%dma_wait3A_195 : memref<10240xf32, #tpu.memory_space<vmem_shared>>)
      } else {
      }
      %dma_start3A_128 = arith.constant 0 : i32
      %dma_start3A_129 = tpu.memref_slice %arg5[%add3A_122, %dma_start3A_128] : memref<80x128xi32, #tpu.memory_space<vmem>> -> memref<1x128xi32, #tpu.memory_space<vmem>>
      %dma_start3A_130 = tpu.memref_squeeze %dma_start3A_129 : memref<1x128xi32, #tpu.memory_space<vmem>> -> memref<128xi32, #tpu.memory_space<vmem>>
      %dma_start3A_131 = arith.constant 0 : i32
      %dma_start3A_132 = tpu.memref_slice %arg7[%dma_start3A_131] : memref<10240xf32, #tpu.memory_space<vmem_shared>> -> memref<10240xf32, #tpu.memory_space<vmem_shared>>
      tpu.enqueue_indirect_dma source(%arg4 : memref<128xf32, #tpu.memory_space<vmem>>) target(%dma_start3A_132 : memref<10240xf32, #tpu.memory_space<vmem_shared>>) offsets(%dma_start3A_130 : memref<128xi32, #tpu.memory_space<vmem>>) semaphore(%arg11 : memref<!tpu.dma_semaphore, #tpu.memory_space<semaphore_mem>>) {add = true}
      %mul3A_133 = arith.constant 8 : i32
      %mul3A_134 = arith.muli %scan3A_79, %mul3A_133 : i32
      %add3A_135 = arith.constant 4 : i32
      %add3A_136 = arith.addi %mul3A_134, %add3A_135 : i32
      %ge3A_137 = arith.constant 8 : i32
      %ge3A_138 = arith.cmpi sge, %add3A_136, %ge3A_137 : i32
      %convert_element_type3A_139 = arith.extui %ge3A_138 : i1 to i32
      %cond3A_140 = arith.constant 0 : i32
      %cond3A_141 = arith.cmpi ne, %convert_element_type3A_139, %cond3A_140 : i32
      scf.if %cond3A_141 {
        %dma_wait3A_190 = arith.constant 0 : i32
        %dma_wait3A_191 = arith.constant 0 : i32
        %dma_wait3A_192 = tpu.memref_slice %arg5[%dma_wait3A_190, %dma_wait3A_191] : memref<80x128xi32, #tpu.memory_space<vmem>> -> memref<1x128xi32, #tpu.memory_space<vmem>>
        %dma_wait3A_193 = tpu.memref_squeeze %dma_wait3A_192 : memref<1x128xi32, #tpu.memory_space<vmem>> -> memref<128xi32, #tpu.memory_space<vmem>>
        %dma_wait3A_194 = arith.constant 0 : i32
        %dma_wait3A_195 = tpu.memref_slice %arg7[%dma_wait3A_194] : memref<10240xf32, #tpu.memory_space<vmem_shared>> -> memref<10240xf32, #tpu.memory_space<vmem_shared>>
        tpu.wait_indirect_dma semaphore(%arg12 : memref<!tpu.dma_semaphore, #tpu.memory_space<semaphore_mem>>) src(%arg4 : memref<128xf32, #tpu.memory_space<vmem>>) dst(%dma_wait3A_195 : memref<10240xf32, #tpu.memory_space<vmem_shared>>)
      } else {
      }
      %dma_start3A_142 = arith.constant 0 : i32
      %dma_start3A_143 = tpu.memref_slice %arg5[%add3A_136, %dma_start3A_142] : memref<80x128xi32, #tpu.memory_space<vmem>> -> memref<1x128xi32, #tpu.memory_space<vmem>>
      %dma_start3A_144 = tpu.memref_squeeze %dma_start3A_143 : memref<1x128xi32, #tpu.memory_space<vmem>> -> memref<128xi32, #tpu.memory_space<vmem>>
      %dma_start3A_145 = arith.constant 0 : i32
      %dma_start3A_146 = tpu.memref_slice %arg7[%dma_start3A_145] : memref<10240xf32, #tpu.memory_space<vmem_shared>> -> memref<10240xf32, #tpu.memory_space<vmem_shared>>
      tpu.enqueue_indirect_dma source(%arg4 : memref<128xf32, #tpu.memory_space<vmem>>) target(%dma_start3A_146 : memref<10240xf32, #tpu.memory_space<vmem_shared>>) offsets(%dma_start3A_144 : memref<128xi32, #tpu.memory_space<vmem>>) semaphore(%arg12 : memref<!tpu.dma_semaphore, #tpu.memory_space<semaphore_mem>>) {add = true}
      %mul3A_147 = arith.constant 8 : i32
      %mul3A_148 = arith.muli %scan3A_79, %mul3A_147 : i32
      %add3A_149 = arith.constant 5 : i32
      %add3A_150 = arith.addi %mul3A_148, %add3A_149 : i32
      %ge3A_151 = arith.constant 8 : i32
      %ge3A_152 = arith.cmpi sge, %add3A_150, %ge3A_151 : i32
      %convert_element_type3A_153 = arith.extui %ge3A_152 : i1 to i32
      %cond3A_154 = arith.constant 0 : i32
      %cond3A_155 = arith.cmpi ne, %convert_element_type3A_153, %cond3A_154 : i32
      scf.if %cond3A_155 {
        %dma_wait3A_190 = arith.constant 0 : i32
        %dma_wait3A_191 = arith.constant 0 : i32
        %dma_wait3A_192 = tpu.memref_slice %arg5[%dma_wait3A_190, %dma_wait3A_191] : memref<80x128xi32, #tpu.memory_space<vmem>> -> memref<1x128xi32, #tpu.memory_space<vmem>>
        %dma_wait3A_193 = tpu.memref_squeeze %dma_wait3A_192 : memref<1x128xi32, #tpu.memory_space<vmem>> -> memref<128xi32, #tpu.memory_space<vmem>>
        %dma_wait3A_194 = arith.constant 0 : i32
        %dma_wait3A_195 = tpu.memref_slice %arg7[%dma_wait3A_194] : memref<10240xf32, #tpu.memory_space<vmem_shared>> -> memref<10240xf32, #tpu.memory_space<vmem_shared>>
        tpu.wait_indirect_dma semaphore(%arg13 : memref<!tpu.dma_semaphore, #tpu.memory_space<semaphore_mem>>) src(%arg4 : memref<128xf32, #tpu.memory_space<vmem>>) dst(%dma_wait3A_195 : memref<10240xf32, #tpu.memory_space<vmem_shared>>)
      } else {
      }
      %dma_start3A_156 = arith.constant 0 : i32
      %dma_start3A_157 = tpu.memref_slice %arg5[%add3A_150, %dma_start3A_156] : memref<80x128xi32, #tpu.memory_space<vmem>> -> memref<1x128xi32, #tpu.memory_space<vmem>>
      %dma_start3A_158 = tpu.memref_squeeze %dma_start3A_157 : memref<1x128xi32, #tpu.memory_space<vmem>> -> memref<128xi32, #tpu.memory_space<vmem>>
      %dma_start3A_159 = arith.constant 0 : i32
      %dma_start3A_160 = tpu.memref_slice %arg7[%dma_start3A_159] : memref<10240xf32, #tpu.memory_space<vmem_shared>> -> memref<10240xf32, #tpu.memory_space<vmem_shared>>
      tpu.enqueue_indirect_dma source(%arg4 : memref<128xf32, #tpu.memory_space<vmem>>) target(%dma_start3A_160 : memref<10240xf32, #tpu.memory_space<vmem_shared>>) offsets(%dma_start3A_158 : memref<128xi32, #tpu.memory_space<vmem>>) semaphore(%arg13 : memref<!tpu.dma_semaphore, #tpu.memory_space<semaphore_mem>>) {add = true}
      %mul3A_161 = arith.constant 8 : i32
      %mul3A_162 = arith.muli %scan3A_79, %mul3A_161 : i32
      %add3A_163 = arith.constant 6 : i32
      %add3A_164 = arith.addi %mul3A_162, %add3A_163 : i32
      %ge3A_165 = arith.constant 8 : i32
      %ge3A_166 = arith.cmpi sge, %add3A_164, %ge3A_165 : i32
      %convert_element_type3A_167 = arith.extui %ge3A_166 : i1 to i32
      %cond3A_168 = arith.constant 0 : i32
      %cond3A_169 = arith.cmpi ne, %convert_element_type3A_167, %cond3A_168 : i32
      scf.if %cond3A_169 {
        %dma_wait3A_190 = arith.constant 0 : i32
        %dma_wait3A_191 = arith.constant 0 : i32
        %dma_wait3A_192 = tpu.memref_slice %arg5[%dma_wait3A_190, %dma_wait3A_191] : memref<80x128xi32, #tpu.memory_space<vmem>> -> memref<1x128xi32, #tpu.memory_space<vmem>>
        %dma_wait3A_193 = tpu.memref_squeeze %dma_wait3A_192 : memref<1x128xi32, #tpu.memory_space<vmem>> -> memref<128xi32, #tpu.memory_space<vmem>>
        %dma_wait3A_194 = arith.constant 0 : i32
        %dma_wait3A_195 = tpu.memref_slice %arg7[%dma_wait3A_194] : memref<10240xf32, #tpu.memory_space<vmem_shared>> -> memref<10240xf32, #tpu.memory_space<vmem_shared>>
        tpu.wait_indirect_dma semaphore(%arg14 : memref<!tpu.dma_semaphore, #tpu.memory_space<semaphore_mem>>) src(%arg4 : memref<128xf32, #tpu.memory_space<vmem>>) dst(%dma_wait3A_195 : memref<10240xf32, #tpu.memory_space<vmem_shared>>)
      } else {
      }
      %dma_start3A_170 = arith.constant 0 : i32
      %dma_start3A_171 = tpu.memref_slice %arg5[%add3A_164, %dma_start3A_170] : memref<80x128xi32, #tpu.memory_space<vmem>> -> memref<1x128xi32, #tpu.memory_space<vmem>>
      %dma_start3A_172 = tpu.memref_squeeze %dma_start3A_171 : memref<1x128xi32, #tpu.memory_space<vmem>> -> memref<128xi32, #tpu.memory_space<vmem>>
      %dma_start3A_173 = arith.constant 0 : i32
      %dma_start3A_174 = tpu.memref_slice %arg7[%dma_start3A_173] : memref<10240xf32, #tpu.memory_space<vmem_shared>> -> memref<10240xf32, #tpu.memory_space<vmem_shared>>
      tpu.enqueue_indirect_dma source(%arg4 : memref<128xf32, #tpu.memory_space<vmem>>) target(%dma_start3A_174 : memref<10240xf32, #tpu.memory_space<vmem_shared>>) offsets(%dma_start3A_172 : memref<128xi32, #tpu.memory_space<vmem>>) semaphore(%arg14 : memref<!tpu.dma_semaphore, #tpu.memory_space<semaphore_mem>>) {add = true}
      %mul3A_175 = arith.constant 8 : i32
      %mul3A_176 = arith.muli %scan3A_79, %mul3A_175 : i32
      %add3A_177 = arith.constant 7 : i32
      %add3A_178 = arith.addi %mul3A_176, %add3A_177 : i32
      %ge3A_179 = arith.constant 8 : i32
      %ge3A_180 = arith.cmpi sge, %add3A_178, %ge3A_179 : i32
      %convert_element_type3A_181 = arith.extui %ge3A_180 : i1 to i32
      %cond3A_182 = arith.constant 0 : i32
      %cond3A_183 = arith.cmpi ne, %convert_element_type3A_181, %cond3A_182 : i32
      scf.if %cond3A_183 {
        %dma_wait3A_190 = arith.constant 0 : i32
        %dma_wait3A_191 = arith.constant 0 : i32
        %dma_wait3A_192 = tpu.memref_slice %arg5[%dma_wait3A_190, %dma_wait3A_191] : memref<80x128xi32, #tpu.memory_space<vmem>> -> memref<1x128xi32, #tpu.memory_space<vmem>>
        %dma_wait3A_193 = tpu.memref_squeeze %dma_wait3A_192 : memref<1x128xi32, #tpu.memory_space<vmem>> -> memref<128xi32, #tpu.memory_space<vmem>>
        %dma_wait3A_194 = arith.constant 0 : i32
        %dma_wait3A_195 = tpu.memref_slice %arg7[%dma_wait3A_194] : memref<10240xf32, #tpu.memory_space<vmem_shared>> -> memref<10240xf32, #tpu.memory_space<vmem_shared>>
        tpu.wait_indirect_dma semaphore(%arg15 : memref<!tpu.dma_semaphore, #tpu.memory_space<semaphore_mem>>) src(%arg4 : memref<128xf32, #tpu.memory_space<vmem>>) dst(%dma_wait3A_195 : memref<10240xf32, #tpu.memory_space<vmem_shared>>)
      } else {
      }
      %dma_start3A_184 = arith.constant 0 : i32
      %dma_start3A_185 = tpu.memref_slice %arg5[%add3A_178, %dma_start3A_184] : memref<80x128xi32, #tpu.memory_space<vmem>> -> memref<1x128xi32, #tpu.memory_space<vmem>>
      %dma_start3A_186 = tpu.memref_squeeze %dma_start3A_185 : memref<1x128xi32, #tpu.memory_space<vmem>> -> memref<128xi32, #tpu.memory_space<vmem>>
      %dma_start3A_187 = arith.constant 0 : i32
      %dma_start3A_188 = tpu.memref_slice %arg7[%dma_start3A_187] : memref<10240xf32, #tpu.memory_space<vmem_shared>> -> memref<10240xf32, #tpu.memory_space<vmem_shared>>
      tpu.enqueue_indirect_dma source(%arg4 : memref<128xf32, #tpu.memory_space<vmem>>) target(%dma_start3A_188 : memref<10240xf32, #tpu.memory_space<vmem_shared>>) offsets(%dma_start3A_186 : memref<128xi32, #tpu.memory_space<vmem>>) semaphore(%arg15 : memref<!tpu.dma_semaphore, #tpu.memory_space<semaphore_mem>>) {add = true}
      %scan3A_189 = arith.constant 0 : i32
      scf.yield %scan3A_189 : i32
    }
    %scan3A_25 = arith.constant 10 : i32
    %dma_wait3A = arith.constant 0 : i32
    %dma_wait3A_26 = arith.constant 0 : i32
    %dma_wait3A_27 = tpu.memref_slice %arg5[%dma_wait3A, %dma_wait3A_26] : memref<80x128xi32, #tpu.memory_space<vmem>> -> memref<1x128xi32, #tpu.memory_space<vmem>>
    %dma_wait3A_28 = tpu.memref_squeeze %dma_wait3A_27 : memref<1x128xi32, #tpu.memory_space<vmem>> -> memref<128xi32, #tpu.memory_space<vmem>>
    %dma_wait3A_29 = arith.constant 0 : i32
    %dma_wait3A_30 = tpu.memref_slice %arg7[%dma_wait3A_29] : memref<10240xf32, #tpu.memory_space<vmem_shared>> -> memref<10240xf32, #tpu.memory_space<vmem_shared>>
    tpu.wait_indirect_dma semaphore(%arg8 : memref<!tpu.dma_semaphore, #tpu.memory_space<semaphore_mem>>) src(%arg4 : memref<128xf32, #tpu.memory_space<vmem>>) dst(%dma_wait3A_30 : memref<10240xf32, #tpu.memory_space<vmem_shared>>)
    %dma_wait3A_31 = arith.constant 0 : i32
    %dma_wait3A_32 = arith.constant 0 : i32
    %dma_wait3A_33 = tpu.memref_slice %arg5[%dma_wait3A_31, %dma_wait3A_32] : memref<80x128xi32, #tpu.memory_space<vmem>> -> memref<1x128xi32, #tpu.memory_space<vmem>>
    %dma_wait3A_34 = tpu.memref_squeeze %dma_wait3A_33 : memref<1x128xi32, #tpu.memory_space<vmem>> -> memref<128xi32, #tpu.memory_space<vmem>>
    %dma_wait3A_35 = arith.constant 0 : i32
    %dma_wait3A_36 = tpu.memref_slice %arg7[%dma_wait3A_35] : memref<10240xf32, #tpu.memory_space<vmem_shared>> -> memref<10240xf32, #tpu.memory_space<vmem_shared>>
    tpu.wait_indirect_dma semaphore(%arg9 : memref<!tpu.dma_semaphore, #tpu.memory_space<semaphore_mem>>) src(%arg4 : memref<128xf32, #tpu.memory_space<vmem>>) dst(%dma_wait3A_36 : memref<10240xf32, #tpu.memory_space<vmem_shared>>)
    %dma_wait3A_37 = arith.constant 0 : i32
    %dma_wait3A_38 = arith.constant 0 : i32
    %dma_wait3A_39 = tpu.memref_slice %arg5[%dma_wait3A_37, %dma_wait3A_38] : memref<80x128xi32, #tpu.memory_space<vmem>> -> memref<1x128xi32, #tpu.memory_space<vmem>>
    %dma_wait3A_40 = tpu.memref_squeeze %dma_wait3A_39 : memref<1x128xi32, #tpu.memory_space<vmem>> -> memref<128xi32, #tpu.memory_space<vmem>>
    %dma_wait3A_41 = arith.constant 0 : i32
    %dma_wait3A_42 = tpu.memref_slice %arg7[%dma_wait3A_41] : memref<10240xf32, #tpu.memory_space<vmem_shared>> -> memref<10240xf32, #tpu.memory_space<vmem_shared>>
    tpu.wait_indirect_dma semaphore(%arg10 : memref<!tpu.dma_semaphore, #tpu.memory_space<semaphore_mem>>) src(%arg4 : memref<128xf32, #tpu.memory_space<vmem>>) dst(%dma_wait3A_42 : memref<10240xf32, #tpu.memory_space<vmem_shared>>)
    %dma_wait3A_43 = arith.constant 0 : i32
    %dma_wait3A_44 = arith.constant 0 : i32
    %dma_wait3A_45 = tpu.memref_slice %arg5[%dma_wait3A_43, %dma_wait3A_44] : memref<80x128xi32, #tpu.memory_space<vmem>> -> memref<1x128xi32, #tpu.memory_space<vmem>>
    %dma_wait3A_46 = tpu.memref_squeeze %dma_wait3A_45 : memref<1x128xi32, #tpu.memory_space<vmem>> -> memref<128xi32, #tpu.memory_space<vmem>>
    %dma_wait3A_47 = arith.constant 0 : i32
    %dma_wait3A_48 = tpu.memref_slice %arg7[%dma_wait3A_47] : memref<10240xf32, #tpu.memory_space<vmem_shared>> -> memref<10240xf32, #tpu.memory_space<vmem_shared>>
    tpu.wait_indirect_dma semaphore(%arg11 : memref<!tpu.dma_semaphore, #tpu.memory_space<semaphore_mem>>) src(%arg4 : memref<128xf32, #tpu.memory_space<vmem>>) dst(%dma_wait3A_48 : memref<10240xf32, #tpu.memory_space<vmem_shared>>)
    %dma_wait3A_49 = arith.constant 0 : i32
    %dma_wait3A_50 = arith.constant 0 : i32
    %dma_wait3A_51 = tpu.memref_slice %arg5[%dma_wait3A_49, %dma_wait3A_50] : memref<80x128xi32, #tpu.memory_space<vmem>> -> memref<1x128xi32, #tpu.memory_space<vmem>>
    %dma_wait3A_52 = tpu.memref_squeeze %dma_wait3A_51 : memref<1x128xi32, #tpu.memory_space<vmem>> -> memref<128xi32, #tpu.memory_space<vmem>>
    %dma_wait3A_53 = arith.constant 0 : i32
    %dma_wait3A_54 = tpu.memref_slice %arg7[%dma_wait3A_53] : memref<10240xf32, #tpu.memory_space<vmem_shared>> -> memref<10240xf32, #tpu.memory_space<vmem_shared>>
    tpu.wait_indirect_dma semaphore(%arg12 : memref<!tpu.dma_semaphore, #tpu.memory_space<semaphore_mem>>) src(%arg4 : memref<128xf32, #tpu.memory_space<vmem>>) dst(%dma_wait3A_54 : memref<10240xf32, #tpu.memory_space<vmem_shared>>)
    %dma_wait3A_55 = arith.constant 0 : i32
    %dma_wait3A_56 = arith.constant 0 : i32
    %dma_wait3A_57 = tpu.memref_slice %arg5[%dma_wait3A_55, %dma_wait3A_56] : memref<80x128xi32, #tpu.memory_space<vmem>> -> memref<1x128xi32, #tpu.memory_space<vmem>>
    %dma_wait3A_58 = tpu.memref_squeeze %dma_wait3A_57 : memref<1x128xi32, #tpu.memory_space<vmem>> -> memref<128xi32, #tpu.memory_space<vmem>>
    %dma_wait3A_59 = arith.constant 0 : i32
    %dma_wait3A_60 = tpu.memref_slice %arg7[%dma_wait3A_59] : memref<10240xf32, #tpu.memory_space<vmem_shared>> -> memref<10240xf32, #tpu.memory_space<vmem_shared>>
    tpu.wait_indirect_dma semaphore(%arg13 : memref<!tpu.dma_semaphore, #tpu.memory_space<semaphore_mem>>) src(%arg4 : memref<128xf32, #tpu.memory_space<vmem>>) dst(%dma_wait3A_60 : memref<10240xf32, #tpu.memory_space<vmem_shared>>)
    %dma_wait3A_61 = arith.constant 0 : i32
    %dma_wait3A_62 = arith.constant 0 : i32
    %dma_wait3A_63 = tpu.memref_slice %arg5[%dma_wait3A_61, %dma_wait3A_62] : memref<80x128xi32, #tpu.memory_space<vmem>> -> memref<1x128xi32, #tpu.memory_space<vmem>>
    %dma_wait3A_64 = tpu.memref_squeeze %dma_wait3A_63 : memref<1x128xi32, #tpu.memory_space<vmem>> -> memref<128xi32, #tpu.memory_space<vmem>>
    %dma_wait3A_65 = arith.constant 0 : i32
    %dma_wait3A_66 = tpu.memref_slice %arg7[%dma_wait3A_65] : memref<10240xf32, #tpu.memory_space<vmem_shared>> -> memref<10240xf32, #tpu.memory_space<vmem_shared>>
    tpu.wait_indirect_dma semaphore(%arg14 : memref<!tpu.dma_semaphore, #tpu.memory_space<semaphore_mem>>) src(%arg4 : memref<128xf32, #tpu.memory_space<vmem>>) dst(%dma_wait3A_66 : memref<10240xf32, #tpu.memory_space<vmem_shared>>)
    %dma_wait3A_67 = arith.constant 0 : i32
    %dma_wait3A_68 = arith.constant 0 : i32
    %dma_wait3A_69 = tpu.memref_slice %arg5[%dma_wait3A_67, %dma_wait3A_68] : memref<80x128xi32, #tpu.memory_space<vmem>> -> memref<1x128xi32, #tpu.memory_space<vmem>>
    %dma_wait3A_70 = tpu.memref_squeeze %dma_wait3A_69 : memref<1x128xi32, #tpu.memory_space<vmem>> -> memref<128xi32, #tpu.memory_space<vmem>>
    %dma_wait3A_71 = arith.constant 0 : i32
    %dma_wait3A_72 = tpu.memref_slice %arg7[%dma_wait3A_71] : memref<10240xf32, #tpu.memory_space<vmem_shared>> -> memref<10240xf32, #tpu.memory_space<vmem_shared>>
    tpu.wait_indirect_dma semaphore(%arg15 : memref<!tpu.dma_semaphore, #tpu.memory_space<semaphore_mem>>) src(%arg4 : memref<128xf32, #tpu.memory_space<vmem>>) dst(%dma_wait3A_72 : memref<10240xf32, #tpu.memory_space<vmem_shared>>)
    %barrier3A_73 = arith.constant 0 : index
    tpu.barrier barrier_id(%barrier3A_73)
    %mul3A_74 = arith.constant 640 : i32
    %mul3A_75 = arith.muli %arg1, %mul3A_74 : i32
    %mul3A_76 = arith.constant 10240 : i32
    %mul3A_77 = arith.muli %arg0, %mul3A_76 : i32
    %add3A_78 = arith.addi %mul3A_77, %mul3A_75 : i32
    "tpu.region"() ({
      %run_scoped3A = tpu.sem_alloc : memref<!tpu.dma_semaphore, #tpu.memory_space<semaphore_mem>>
      %dma_start3A = tpu.memref_slice %arg3[%add3A_78] : memref<20480xf32, #tpu.memory_space<hbm>> -> memref<640xf32, #tpu.memory_space<hbm>>
      %dma_start3A_79 = tpu.memref_slice %arg7[%mul3A_75] : memref<10240xf32, #tpu.memory_space<vmem_shared>> -> memref<640xf32, #tpu.memory_space<vmem_shared>>
      tpu.enqueue_dma source(%dma_start3A_79 : memref<640xf32, #tpu.memory_space<vmem_shared>>) target(%dma_start3A : memref<640xf32, #tpu.memory_space<hbm>>) target_semaphore(%run_scoped3A : memref<!tpu.dma_semaphore, #tpu.memory_space<semaphore_mem>>)
      %dma_wait3A_80 = tpu.memref_slice %arg3[%add3A_78] : memref<20480xf32, #tpu.memory_space<hbm>> -> memref<640xf32, #tpu.memory_space<hbm>>
      %dma_wait3A_81 = tpu.memref_slice %arg7[%mul3A_75] : memref<10240xf32, #tpu.memory_space<vmem_shared>> -> memref<640xf32, #tpu.memory_space<vmem_shared>>
      tpu.wait_dma2 semaphore(%run_scoped3A : memref<!tpu.dma_semaphore, #tpu.memory_space<semaphore_mem>>) src(%dma_wait3A_81 : memref<640xf32, #tpu.memory_space<vmem_shared>>) dst(%dma_wait3A_80 : memref<640xf32, #tpu.memory_space<hbm>>)
      tpu.yield
    }) : () -> ()
    return
  }
}

#map = affine_map<(d0, d1) -> (0, 0)>
module attributes {stable_mosaic.version = 14 : i64} {
  func.func @_edge_kernel(%arg0: i32, %arg1: i32, %arg2: memref<10240x128xf32, #tpu.memory_space<hbm>>, %arg3: memref<5120x64xi32, #tpu.memory_space<hbm>>, %arg4: memref<10240x128xf32, #tpu.memory_space<hbm>>, %arg5: memref<64x128xf32, #tpu.memory_space<vmem>>, %arg6: memref<64x128xf32, #tpu.memory_space<vmem>>, %arg7: memref<64x128xf32, #tpu.memory_space<vmem>>, %arg8: memref<64x128xf32, #tpu.memory_space<vmem>>, %arg9: memref<64xi32, #tpu.memory_space<vmem>>, %arg10: memref<64xi32, #tpu.memory_space<vmem>>, %arg11: memref<64xi32, #tpu.memory_space<vmem>>, %arg12: memref<64xi32, #tpu.memory_space<vmem>>, %arg13: memref<64xi32, #tpu.memory_space<vmem>>, %arg14: memref<64xi32, #tpu.memory_space<vmem>>, %arg15: memref<64xi32, #tpu.memory_space<vmem>>, %arg16: memref<64xi32, #tpu.memory_space<vmem>>, %arg17: memref<64xi32, #tpu.memory_space<vmem>>, %arg18: memref<64xi32, #tpu.memory_space<vmem>>, %arg19: memref<64xi32, #tpu.memory_space<vmem>>, %arg20: memref<64xi32, #tpu.memory_space<vmem>>, %arg21: memref<10240x128xf32, #tpu.memory_space<vmem_shared>>, %arg22: memref<!tpu.dma_semaphore, #tpu.memory_space<semaphore_mem>>, %arg23: memref<!tpu.dma_semaphore, #tpu.memory_space<semaphore_mem>>, %arg24: memref<!tpu.dma_semaphore, #tpu.memory_space<semaphore_mem>>, %arg25: memref<!tpu.dma_semaphore, #tpu.memory_space<semaphore_mem>>, %arg26: memref<!tpu.dma_semaphore, #tpu.memory_space<semaphore_mem>>, %arg27: memref<!tpu.dma_semaphore, #tpu.memory_space<semaphore_mem>>, %arg28: memref<!tpu.dma_semaphore, #tpu.memory_space<semaphore_mem>>, %arg29: memref<!tpu.dma_semaphore, #tpu.memory_space<semaphore_mem>>, %arg30: memref<!tpu.dma_semaphore, #tpu.memory_space<semaphore_mem>>, %arg31: memref<!tpu.dma_semaphore, #tpu.memory_space<semaphore_mem>>, %arg32: memref<!tpu.dma_semaphore, #tpu.memory_space<semaphore_mem>>, %arg33: memref<!tpu.dma_semaphore, #tpu.memory_space<semaphore_mem>>) attributes {dimension_semantics = [#tpu.dimension_semantics<core_parallel>, #tpu.dimension_semantics<subcore_parallel>], iteration_bounds = array<i64: 2, 16>, scalar_prefetch = 0 : i64, scratch_operands = 29 : i64, tpu.core_type = #tpu.core_type<sc_vector_subcore>, window_params = [{transform_indices = #map}, {transform_indices = #map}, {transform_indices = #map}]} {
    %mul3A = arith.constant 320 : i32
    %mul3A_0 = arith.muli %arg1, %mul3A : i32
    %mul3A_1 = arith.constant 640 : i32
    %mul3A_2 = arith.muli %arg1, %mul3A_1 : i32
    %eq3A = arith.constant 0 : i32
    %eq3A_3 = arith.cmpi eq, %arg0, %eq3A : i32
    %convert_element_type3A = arith.extui %eq3A_3 : i1 to i32
    %cond3A = arith.constant 0 : i32
    %cond3A_4 = arith.cmpi ne, %convert_element_type3A, %cond3A : i32
    scf.if %cond3A_4 {
      %broadcast_in_dim3A = arith.constant 0.000000e+00 : f32
      %broadcast_in_dim3A_16 = vector.broadcast %broadcast_in_dim3A : f32 to vector<16xf32>
      %scan3A = arith.constant 0 : i32
      %scan3A_17 = arith.constant 0 : i32
      %scan3A_18 = arith.constant 512 : i32
      %scan3A_19 = arith.addi %scan3A_17, %scan3A_18 : i32
      %scan3A_20 = arith.constant 1 : i32
      %scan3A_21 = scf.for %scan3A_67 = %scan3A_17 to %scan3A_19 step %scan3A_20 iter_args(%scan3A_68 = %scan3A) -> (i32)  : i32 {
        %jit3A = arith.constant 8 : i32
        %div3A = arith.divsi %scan3A_67, %jit3A : i32
        %sign3A = arith.constant 0 : i32
        %sign3A_69 = arith.cmpi sgt, %scan3A_67, %sign3A : i32
        %sign3A_70 = arith.extui %sign3A_69 : i1 to i32
        %sign3A_71 = arith.constant 0 : i32
        %sign3A_72 = arith.cmpi slt, %scan3A_67, %sign3A_71 : i32
        %sign3A_73 = arith.extui %sign3A_72 : i1 to i32
        %sign3A_74 = arith.subi %sign3A_70, %sign3A_73 : i32
        %sign3A_75 = arith.constant 0 : i32
        %sign3A_76 = arith.cmpi sgt, %jit3A, %sign3A_75 : i32
        %sign3A_77 = arith.extui %sign3A_76 : i1 to i32
        %sign3A_78 = arith.constant 0 : i32
        %sign3A_79 = arith.cmpi slt, %jit3A, %sign3A_78 : i32
        %sign3A_80 = arith.extui %sign3A_79 : i1 to i32
        %sign3A_81 = arith.subi %sign3A_77, %sign3A_80 : i32
        %ne3A = arith.cmpi ne, %sign3A_74, %sign3A_81 : i32
        %rem3A = arith.remsi %scan3A_67, %jit3A : i32
        %ne3A_82 = arith.constant 0 : i32
        %ne3A_83 = arith.cmpi ne, %rem3A, %ne3A_82 : i32
        %and3A = arith.andi %ne3A, %ne3A_83 : i1
        %sub3A = arith.constant 1 : i32
        %sub3A_84 = arith.subi %div3A, %sub3A : i32
        %select_n3A = arith.select %and3A, %sub3A_84, %div3A : i32
        %jit3A_85 = arith.constant 8 : i32
        %eq3A_86 = arith.constant 0 : i32
        %eq3A_87 = arith.cmpi eq, %jit3A_85, %eq3A_86 : i32
        %jit3A_88 = arith.constant 1 : i32
        %select_n3A_89 = arith.select %eq3A_87, %jit3A_88, %jit3A_85 : i32
        %rem3A_90 = arith.remsi %scan3A_67, %select_n3A_89 : i32
        %ne3A_91 = arith.constant 0 : i32
        %ne3A_92 = arith.cmpi ne, %rem3A_90, %ne3A_91 : i32
        %lt3A = arith.constant 0 : i32
        %lt3A_93 = arith.cmpi slt, %rem3A_90, %lt3A : i32
        %lt3A_94 = arith.constant 0 : i32
        %lt3A_95 = arith.cmpi slt, %select_n3A_89, %lt3A_94 : i32
        %ne3A_96 = arith.xori %lt3A_93, %lt3A_95 : i1
        %and3A_97 = arith.andi %ne3A_96, %ne3A_92 : i1
        %add3A_98 = arith.addi %rem3A_90, %select_n3A_89 : i32
        %select_n3A_99 = arith.select %and3A_97, %add3A_98, %rem3A_90 : i32
        %mul3A_100 = arith.constant 16 : i32
        %mul3A_101 = arith.muli %select_n3A_99, %mul3A_100 : i32
        %swap3A = arith.index_cast %select_n3A : i32 to index
        %swap3A_102 = arith.index_cast %mul3A_101 : i32 to index
        %swap3A_103 = tpu.vector_load %arg5[%swap3A, %swap3A_102] {strides = array<i32>} : memref<64x128xf32, #tpu.memory_space<vmem>>, vector<1x16xf32>,
        %swap3A_104 = vector.shape_cast %swap3A_103 : vector<1x16xf32> to vector<16xf32>
        %swap3A_105 = vector.shape_cast %broadcast_in_dim3A_16 : vector<16xf32> to vector<1x16xf32>
        tpu.vector_store %arg5[%swap3A, %swap3A_102], %swap3A_105 {strides = array<i32>} : memref<64x128xf32, #tpu.memory_space<vmem>>, vector<1x16xf32>,
        %scan3A_106 = arith.constant 0 : i32
        scf.yield %scan3A_106 : i32
      }
      %scan3A_22 = arith.constant 512 : i32
      %scan3A_23 = arith.constant 0 : i32
      %scan3A_24 = arith.constant 0 : i32
      %scan3A_25 = arith.constant 10 : i32
      %scan3A_26 = arith.addi %scan3A_24, %scan3A_25 : i32
      %scan3A_27 = arith.constant 1 : i32
      %scan3A_28 = scf.for %scan3A_67 = %scan3A_24 to %scan3A_26 step %scan3A_27 iter_args(%scan3A_68 = %scan3A_23) -> (i32)  : i32 {
        %mul3A_69 = arith.constant 64 : i32
        %mul3A_70 = arith.muli %scan3A_67, %mul3A_69 : i32
        %add3A_71 = arith.addi %mul3A_2, %mul3A_70 : i32
        %dma_start3A_72 = arith.constant 0 : i32
        %dma_start3A_73 = tpu.memref_slice %arg21[%add3A_71, %dma_start3A_72] : memref<10240x128xf32, #tpu.memory_space<vmem_shared>> -> memref<64x128xf32, #tpu.memory_space<vmem_shared>>
        %dma_start3A_74 = arith.constant 0 : i32
        %dma_start3A_75 = tpu.memref_slice %arg21[%add3A_71, %dma_start3A_74] : memref<10240x128xf32, #tpu.memory_space<vmem_shared>> -> memref<64x128xf32, #tpu.memory_space<vmem_shared>>
        tpu.enqueue_dma source(%arg5 : memref<64x128xf32, #tpu.memory_space<vmem>>) target(%dma_start3A_75 : memref<64x128xf32, #tpu.memory_space<vmem_shared>>) target_semaphore(%arg22 : memref<!tpu.dma_semaphore, #tpu.memory_space<semaphore_mem>>)
        %scan3A_76 = arith.constant 0 : i32
        scf.yield %scan3A_76 : i32
      }
      %scan3A_29 = arith.constant 10 : i32
      %add3A = arith.constant 0 : i32
      %add3A_30 = arith.addi %mul3A_0, %add3A : i32
      %dma_start3A = arith.constant 0 : i32
      %dma_start3A_31 = tpu.memref_slice %arg3[%add3A_30, %dma_start3A] : memref<5120x64xi32, #tpu.memory_space<hbm>> -> memref<1x64xi32, #tpu.memory_space<hbm>>
      %dma_start3A_32 = tpu.memref_squeeze %dma_start3A_31 : memref<1x64xi32, #tpu.memory_space<hbm>> -> memref<64xi32, #tpu.memory_space<hbm>>
      %dma_start3A_33 = arith.constant 0 : i32
      %dma_start3A_34 = tpu.memref_slice %arg3[%add3A_30, %dma_start3A_33] : memref<5120x64xi32, #tpu.memory_space<hbm>> -> memref<1x64xi32, #tpu.memory_space<hbm>>
      %dma_start3A_35 = tpu.memref_squeeze %dma_start3A_34 : memref<1x64xi32, #tpu.memory_space<hbm>> -> memref<64xi32, #tpu.memory_space<hbm>>
      tpu.enqueue_dma source(%dma_start3A_35 : memref<64xi32, #tpu.memory_space<hbm>>) target(%arg9 : memref<64xi32, #tpu.memory_space<vmem>>) target_semaphore(%arg30 : memref<!tpu.dma_semaphore, #tpu.memory_space<semaphore_mem>>)
      %add3A_36 = arith.constant 1 : i32
      %add3A_37 = arith.addi %mul3A_0, %add3A_36 : i32
      %dma_start3A_38 = arith.constant 0 : i32
      %dma_start3A_39 = tpu.memref_slice %arg3[%add3A_37, %dma_start3A_38] : memref<5120x64xi32, #tpu.memory_space<hbm>> -> memref<1x64xi32, #tpu.memory_space<hbm>>
      %dma_start3A_40 = tpu.memref_squeeze %dma_start3A_39 : memref<1x64xi32, #tpu.memory_space<hbm>> -> memref<64xi32, #tpu.memory_space<hbm>>
      %dma_start3A_41 = arith.constant 0 : i32
      %dma_start3A_42 = tpu.memref_slice %arg3[%add3A_37, %dma_start3A_41] : memref<5120x64xi32, #tpu.memory_space<hbm>> -> memref<1x64xi32, #tpu.memory_space<hbm>>
      %dma_start3A_43 = tpu.memref_squeeze %dma_start3A_42 : memref<1x64xi32, #tpu.memory_space<hbm>> -> memref<64xi32, #tpu.memory_space<hbm>>
      tpu.enqueue_dma source(%dma_start3A_43 : memref<64xi32, #tpu.memory_space<hbm>>) target(%arg10 : memref<64xi32, #tpu.memory_space<vmem>>) target_semaphore(%arg31 : memref<!tpu.dma_semaphore, #tpu.memory_space<semaphore_mem>>)
      %add3A_44 = arith.constant 2 : i32
      %add3A_45 = arith.addi %mul3A_0, %add3A_44 : i32
      %dma_start3A_46 = arith.constant 0 : i32
      %dma_start3A_47 = tpu.memref_slice %arg3[%add3A_45, %dma_start3A_46] : memref<5120x64xi32, #tpu.memory_space<hbm>> -> memref<1x64xi32, #tpu.memory_space<hbm>>
      %dma_start3A_48 = tpu.memref_squeeze %dma_start3A_47 : memref<1x64xi32, #tpu.memory_space<hbm>> -> memref<64xi32, #tpu.memory_space<hbm>>
      %dma_start3A_49 = arith.constant 0 : i32
      %dma_start3A_50 = tpu.memref_slice %arg3[%add3A_45, %dma_start3A_49] : memref<5120x64xi32, #tpu.memory_space<hbm>> -> memref<1x64xi32, #tpu.memory_space<hbm>>
      %dma_start3A_51 = tpu.memref_squeeze %dma_start3A_50 : memref<1x64xi32, #tpu.memory_space<hbm>> -> memref<64xi32, #tpu.memory_space<hbm>>
      tpu.enqueue_dma source(%dma_start3A_51 : memref<64xi32, #tpu.memory_space<hbm>>) target(%arg11 : memref<64xi32, #tpu.memory_space<vmem>>) target_semaphore(%arg32 : memref<!tpu.dma_semaphore, #tpu.memory_space<semaphore_mem>>)
      %add3A_52 = arith.constant 3 : i32
      %add3A_53 = arith.addi %mul3A_0, %add3A_52 : i32
      %dma_start3A_54 = arith.constant 0 : i32
      %dma_start3A_55 = tpu.memref_slice %arg3[%add3A_53, %dma_start3A_54] : memref<5120x64xi32, #tpu.memory_space<hbm>> -> memref<1x64xi32, #tpu.memory_space<hbm>>
      %dma_start3A_56 = tpu.memref_squeeze %dma_start3A_55 : memref<1x64xi32, #tpu.memory_space<hbm>> -> memref<64xi32, #tpu.memory_space<hbm>>
      %dma_start3A_57 = arith.constant 0 : i32
      %dma_start3A_58 = tpu.memref_slice %arg3[%add3A_53, %dma_start3A_57] : memref<5120x64xi32, #tpu.memory_space<hbm>> -> memref<1x64xi32, #tpu.memory_space<hbm>>
      %dma_start3A_59 = tpu.memref_squeeze %dma_start3A_58 : memref<1x64xi32, #tpu.memory_space<hbm>> -> memref<64xi32, #tpu.memory_space<hbm>>
      tpu.enqueue_dma source(%dma_start3A_59 : memref<64xi32, #tpu.memory_space<hbm>>) target(%arg12 : memref<64xi32, #tpu.memory_space<vmem>>) target_semaphore(%arg33 : memref<!tpu.dma_semaphore, #tpu.memory_space<semaphore_mem>>)
      %scan3A_60 = arith.constant 0 : i32
      %scan3A_61 = arith.constant 0 : i32
      %scan3A_62 = arith.constant 10 : i32
      %scan3A_63 = arith.addi %scan3A_61, %scan3A_62 : i32
      %scan3A_64 = arith.constant 1 : i32
      %scan3A_65 = scf.for %scan3A_67 = %scan3A_61 to %scan3A_63 step %scan3A_64 iter_args(%scan3A_68 = %scan3A_60) -> (i32)  : i32 {
        %dma_wait3A = arith.constant 0 : i32
        %dma_wait3A_69 = tpu.memref_slice %arg21[%mul3A_2, %dma_wait3A] : memref<10240x128xf32, #tpu.memory_space<vmem_shared>> -> memref<64x128xf32, #tpu.memory_space<vmem_shared>>
        %dma_wait3A_70 = arith.constant 0 : i32
        %dma_wait3A_71 = tpu.memref_slice %arg21[%mul3A_2, %dma_wait3A_70] : memref<10240x128xf32, #tpu.memory_space<vmem_shared>> -> memref<64x128xf32, #tpu.memory_space<vmem_shared>>
        tpu.wait_dma2 semaphore(%arg22 : memref<!tpu.dma_semaphore, #tpu.memory_space<semaphore_mem>>) src(%arg5 : memref<64x128xf32, #tpu.memory_space<vmem>>) dst(%dma_wait3A_71 : memref<64x128xf32, #tpu.memory_space<vmem_shared>>)
        %scan3A_72 = arith.constant 0 : i32
        scf.yield %scan3A_72 : i32
      }
      %scan3A_66 = arith.constant 10 : i32
    } else {
    }
    %barrier3A = arith.constant 0 : index
    tpu.barrier barrier_id(%barrier3A)
    %eq3A_5 = arith.constant 0 : i32
    %eq3A_6 = arith.cmpi eq, %arg0, %eq3A_5 : i32
    %convert_element_type3A_7 = arith.extui %eq3A_6 : i1 to i32
    %cond3A_8 = arith.constant 0 : i32
    %cond3A_9 = arith.cmpi ne, %convert_element_type3A_7, %cond3A_8 : i32
    scf.if %cond3A_9 {
      %dma_wait3A = arith.constant 0 : i32
      %dma_wait3A_16 = tpu.memref_slice %arg3[%mul3A_0, %dma_wait3A] : memref<5120x64xi32, #tpu.memory_space<hbm>> -> memref<1x64xi32, #tpu.memory_space<hbm>>
      %dma_wait3A_17 = tpu.memref_squeeze %dma_wait3A_16 : memref<1x64xi32, #tpu.memory_space<hbm>> -> memref<64xi32, #tpu.memory_space<hbm>>
      %dma_wait3A_18 = arith.constant 0 : i32
      %dma_wait3A_19 = tpu.memref_slice %arg3[%mul3A_0, %dma_wait3A_18] : memref<5120x64xi32, #tpu.memory_space<hbm>> -> memref<1x64xi32, #tpu.memory_space<hbm>>
      %dma_wait3A_20 = tpu.memref_squeeze %dma_wait3A_19 : memref<1x64xi32, #tpu.memory_space<hbm>> -> memref<64xi32, #tpu.memory_space<hbm>>
      tpu.wait_dma2 semaphore(%arg30 : memref<!tpu.dma_semaphore, #tpu.memory_space<semaphore_mem>>) src(%dma_wait3A_20 : memref<64xi32, #tpu.memory_space<hbm>>) dst(%arg9 : memref<64xi32, #tpu.memory_space<vmem>>)
      %scan3A = arith.constant 0 : i32
      %scan3A_21 = arith.constant 0 : i32
      %scan3A_22 = arith.constant 4 : i32
      %scan3A_23 = arith.addi %scan3A_21, %scan3A_22 : i32
      %scan3A_24 = arith.constant 1 : i32
      %scan3A_25 = scf.for %scan3A_83 = %scan3A_21 to %scan3A_23 step %scan3A_24 iter_args(%scan3A_84 = %scan3A) -> (i32)  : i32 {
        %mul3A_85 = arith.constant 16 : i32
        %mul3A_86 = arith.muli %scan3A_83, %mul3A_85 : i32
        %get3A = arith.index_cast %mul3A_86 : i32 to index
        %get3A_87 = tpu.vector_load %arg9[%get3A] {strides = array<i32>} : memref<64xi32, #tpu.memory_space<vmem>>, vector<16xi32>,
        %get3A_88 = vector.shape_cast %get3A_87 : vector<16xi32> to vector<16xi32>
        %and3A = arith.constant 16383 : i32
        %and3A_89 = vector.broadcast %and3A : i32 to vector<16xi32>
        %and3A_90 = arith.andi %get3A_88, %and3A_89 : vector<16xi32>
        %mul3A_91 = arith.constant 16 : i32
        %mul3A_92 = arith.muli %scan3A_83, %mul3A_91 : i32
        %swap3A = arith.index_cast %mul3A_92 : i32 to index
        %swap3A_93 = tpu.vector_load %arg13[%swap3A] {strides = array<i32>} : memref<64xi32, #tpu.memory_space<vmem>>, vector<16xi32>,
        %swap3A_94 = vector.shape_cast %swap3A_93 : vector<16xi32> to vector<16xi32>
        %swap3A_95 = vector.shape_cast %and3A_90 : vector<16xi32> to vector<16xi32>
        tpu.vector_store %arg13[%swap3A], %swap3A_95 {strides = array<i32>} : memref<64xi32, #tpu.memory_space<vmem>>, vector<16xi32>,
        %shift_right_logical3A = arith.constant 14 : i32
        %shift_right_logical3A_96 = vector.broadcast %shift_right_logical3A : i32 to vector<16xi32>
        %shift_right_logical3A_97 = arith.shrui %get3A_88, %shift_right_logical3A_96 : vector<16xi32>
        %mul3A_98 = arith.constant 16 : i32
        %mul3A_99 = arith.muli %scan3A_83, %mul3A_98 : i32
        %swap3A_100 = arith.index_cast %mul3A_99 : i32 to index
        %swap3A_101 = tpu.vector_load %arg17[%swap3A_100] {strides = array<i32>} : memref<64xi32, #tpu.memory_space<vmem>>, vector<16xi32>,
        %swap3A_102 = vector.shape_cast %swap3A_101 : vector<16xi32> to vector<16xi32>
        %swap3A_103 = vector.shape_cast %shift_right_logical3A_97 : vector<16xi32> to vector<16xi32>
        tpu.vector_store %arg17[%swap3A_100], %swap3A_103 {strides = array<i32>} : memref<64xi32, #tpu.memory_space<vmem>>, vector<16xi32>,
        %scan3A_104 = arith.constant 0 : i32
        scf.yield %scan3A_104 : i32
      }
      %scan3A_26 = arith.constant 4 : i32
      %add3A = arith.constant 0 : i32
      %add3A_27 = arith.addi %mul3A_0, %add3A : i32
      %add3A_28 = arith.constant 4 : i32
      %add3A_29 = arith.addi %add3A_27, %add3A_28 : i32
      %dma_start3A = arith.constant 0 : i32
      %dma_start3A_30 = tpu.memref_slice %arg3[%add3A_29, %dma_start3A] : memref<5120x64xi32, #tpu.memory_space<hbm>> -> memref<1x64xi32, #tpu.memory_space<hbm>>
      %dma_start3A_31 = tpu.memref_squeeze %dma_start3A_30 : memref<1x64xi32, #tpu.memory_space<hbm>> -> memref<64xi32, #tpu.memory_space<hbm>>
      %dma_start3A_32 = arith.constant 0 : i32
      %dma_start3A_33 = tpu.memref_slice %arg3[%add3A_29, %dma_start3A_32] : memref<5120x64xi32, #tpu.memory_space<hbm>> -> memref<1x64xi32, #tpu.memory_space<hbm>>
      %dma_start3A_34 = tpu.memref_squeeze %dma_start3A_33 : memref<1x64xi32, #tpu.memory_space<hbm>> -> memref<64xi32, #tpu.memory_space<hbm>>
      tpu.enqueue_dma source(%dma_start3A_34 : memref<64xi32, #tpu.memory_space<hbm>>) target(%arg9 : memref<64xi32, #tpu.memory_space<vmem>>) target_semaphore(%arg30 : memref<!tpu.dma_semaphore, #tpu.memory_space<semaphore_mem>>)
      %dma_start3A_35 = arith.constant 0 : i32
      %dma_start3A_36 = arith.constant 0 : i32
      %dma_start3A_37 = tpu.memref_slice %arg2[%dma_start3A_35, %dma_start3A_36] : memref<10240x128xf32, #tpu.memory_space<hbm>> -> memref<10240x128xf32, #tpu.memory_space<hbm>>
      tpu.enqueue_indirect_dma source(%dma_start3A_37 : memref<10240x128xf32, #tpu.memory_space<hbm>>) target(%arg5 : memref<64x128xf32, #tpu.memory_space<vmem>>) offsets(%arg13 : memref<64xi32, #tpu.memory_space<vmem>>) semaphore(%arg22 : memref<!tpu.dma_semaphore, #tpu.memory_space<semaphore_mem>>)
      %dma_wait3A_38 = arith.constant 0 : i32
      %dma_wait3A_39 = tpu.memref_slice %arg3[%mul3A_0, %dma_wait3A_38] : memref<5120x64xi32, #tpu.memory_space<hbm>> -> memref<1x64xi32, #tpu.memory_space<hbm>>
      %dma_wait3A_40 = tpu.memref_squeeze %dma_wait3A_39 : memref<1x64xi32, #tpu.memory_space<hbm>> -> memref<64xi32, #tpu.memory_space<hbm>>
      %dma_wait3A_41 = arith.constant 0 : i32
      %dma_wait3A_42 = tpu.memref_slice %arg3[%mul3A_0, %dma_wait3A_41] : memref<5120x64xi32, #tpu.memory_space<hbm>> -> memref<1x64xi32, #tpu.memory_space<hbm>>
      %dma_wait3A_43 = tpu.memref_squeeze %dma_wait3A_42 : memref<1x64xi32, #tpu.memory_space<hbm>> -> memref<64xi32, #tpu.memory_space<hbm>>
      tpu.wait_dma2 semaphore(%arg31 : memref<!tpu.dma_semaphore, #tpu.memory_space<semaphore_mem>>) src(%dma_wait3A_43 : memref<64xi32, #tpu.memory_space<hbm>>) dst(%arg10 : memref<64xi32, #tpu.memory_space<vmem>>)
      %scan3A_44 = arith.constant 0 : i32
      %scan3A_45 = arith.constant 0 : i32
      %scan3A_46 = arith.constant 4 : i32
      %scan3A_47 = arith.addi %scan3A_45, %scan3A_46 : i32
      %scan3A_48 = arith.constant 1 : i32
      %scan3A_49 = scf.for %scan3A_83 = %scan3A_45 to %scan3A_47 step %scan3A_48 iter_args(%scan3A_84 = %scan3A_44) -> (i32)  : i32 {
        %mul3A_85 = arith.constant 16 : i32
        %mul3A_86 = arith.muli %scan3A_83, %mul3A_85 : i32
        %get3A = arith.index_cast %mul3A_86 : i32 to index
        %get3A_87 = tpu.vector_load %arg10[%get3A] {strides = array<i32>} : memref<64xi32, #tpu.memory_space<vmem>>, vector<16xi32>,
        %get3A_88 = vector.shape_cast %get3A_87 : vector<16xi32> to vector<16xi32>
        %and3A = arith.constant 16383 : i32
        %and3A_89 = vector.broadcast %and3A : i32 to vector<16xi32>
        %and3A_90 = arith.andi %get3A_88, %and3A_89 : vector<16xi32>
        %mul3A_91 = arith.constant 16 : i32
        %mul3A_92 = arith.muli %scan3A_83, %mul3A_91 : i32
        %swap3A = arith.index_cast %mul3A_92 : i32 to index
        %swap3A_93 = tpu.vector_load %arg14[%swap3A] {strides = array<i32>} : memref<64xi32, #tpu.memory_space<vmem>>, vector<16xi32>,
        %swap3A_94 = vector.shape_cast %swap3A_93 : vector<16xi32> to vector<16xi32>
        %swap3A_95 = vector.shape_cast %and3A_90 : vector<16xi32> to vector<16xi32>
        tpu.vector_store %arg14[%swap3A], %swap3A_95 {strides = array<i32>} : memref<64xi32, #tpu.memory_space<vmem>>, vector<16xi32>,
        %shift_right_logical3A = arith.constant 14 : i32
        %shift_right_logical3A_96 = vector.broadcast %shift_right_logical3A : i32 to vector<16xi32>
        %shift_right_logical3A_97 = arith.shrui %get3A_88, %shift_right_logical3A_96 : vector<16xi32>
        %mul3A_98 = arith.constant 16 : i32
        %mul3A_99 = arith.muli %scan3A_83, %mul3A_98 : i32
        %swap3A_100 = arith.index_cast %mul3A_99 : i32 to index
        %swap3A_101 = tpu.vector_load %arg18[%swap3A_100] {strides = array<i32>} : memref<64xi32, #tpu.memory_space<vmem>>, vector<16xi32>,
        %swap3A_102 = vector.shape_cast %swap3A_101 : vector<16xi32> to vector<16xi32>
        %swap3A_103 = vector.shape_cast %shift_right_logical3A_97 : vector<16xi32> to vector<16xi32>
        tpu.vector_store %arg18[%swap3A_100], %swap3A_103 {strides = array<i32>} : memref<64xi32, #tpu.memory_space<vmem>>, vector<16xi32>,
        %scan3A_104 = arith.constant 0 : i32
        scf.yield %scan3A_104 : i32
      }
      %scan3A_50 = arith.constant 4 : i32
      %add3A_51 = arith.constant 1 : i32
      %add3A_52 = arith.addi %mul3A_0, %add3A_51 : i32
      %add3A_53 = arith.constant 4 : i32
      %add3A_54 = arith.addi %add3A_52, %add3A_53 : i32
      %dma_start3A_55 = arith.constant 0 : i32
      %dma_start3A_56 = tpu.memref_slice %arg3[%add3A_54, %dma_start3A_55] : memref<5120x64xi32, #tpu.memory_space<hbm>> -> memref<1x64xi32, #tpu.memory_space<hbm>>
      %dma_start3A_57 = tpu.memref_squeeze %dma_start3A_56 : memref<1x64xi32, #tpu.memory_space<hbm>> -> memref<64xi32, #tpu.memory_space<hbm>>
      %dma_start3A_58 = arith.constant 0 : i32
      %dma_start3A_59 = tpu.memref_slice %arg3[%add3A_54, %dma_start3A_58] : memref<5120x64xi32, #tpu.memory_space<hbm>> -> memref<1x64xi32, #tpu.memory_space<hbm>>
      %dma_start3A_60 = tpu.memref_squeeze %dma_start3A_59 : memref<1x64xi32, #tpu.memory_space<hbm>> -> memref<64xi32, #tpu.memory_space<hbm>>
      tpu.enqueue_dma source(%dma_start3A_60 : memref<64xi32, #tpu.memory_space<hbm>>) target(%arg10 : memref<64xi32, #tpu.memory_space<vmem>>) target_semaphore(%arg31 : memref<!tpu.dma_semaphore, #tpu.memory_space<semaphore_mem>>)
      %dma_start3A_61 = arith.constant 0 : i32
      %dma_start3A_62 = arith.constant 0 : i32
      %dma_start3A_63 = tpu.memref_slice %arg2[%dma_start3A_61, %dma_start3A_62] : memref<10240x128xf32, #tpu.memory_space<hbm>> -> memref<10240x128xf32, #tpu.memory_space<hbm>>
      tpu.enqueue_indirect_dma source(%dma_start3A_63 : memref<10240x128xf32, #tpu.memory_space<hbm>>) target(%arg6 : memref<64x128xf32, #tpu.memory_space<vmem>>) offsets(%arg14 : memref<64xi32, #tpu.memory_space<vmem>>) semaphore(%arg23 : memref<!tpu.dma_semaphore, #tpu.memory_space<semaphore_mem>>)
      %scan3A_64 = arith.constant 0 : i32
      %scan3A_65 = arith.constant 0 : i32
      %scan3A_66 = arith.constant 80 : i32
      %scan3A_67 = arith.addi %scan3A_65, %scan3A_66 : i32
      %scan3A_68 = arith.constant 1 : i32
      %scan3A_69 = scf.for %scan3A_83 = %scan3A_65 to %scan3A_67 step %scan3A_68 iter_args(%scan3A_84 = %scan3A_64) -> (i32)  : i32 {
        %mul3A_85 = arith.constant 4 : i32
        %mul3A_86 = arith.muli %scan3A_83, %mul3A_85 : i32
        %add3A_87 = arith.constant 0 : i32
        %add3A_88 = arith.addi %mul3A_86, %add3A_87 : i32
        %add3A_89 = arith.constant 2 : i32
        %add3A_90 = arith.addi %add3A_88, %add3A_89 : i32
        %lt3A = arith.constant 320 : i32
        %lt3A_91 = arith.cmpi slt, %add3A_90, %lt3A : i32
        %convert_element_type3A_92 = arith.extui %lt3A_91 : i1 to i32
        %cond3A_93 = arith.constant 0 : i32
        %cond3A_94 = arith.cmpi ne, %convert_element_type3A_92, %cond3A_93 : i32
        scf.if %cond3A_94 {
          %add3A_153 = arith.constant 2 : i32
          %add3A_154 = arith.addi %add3A_88, %add3A_153 : i32
          %ge3A = arith.constant 4 : i32
          %ge3A_155 = arith.cmpi sge, %add3A_154, %ge3A : i32
          %convert_element_type3A_156 = arith.extui %ge3A_155 : i1 to i32
          %cond3A_157 = arith.constant 0 : i32
          %cond3A_158 = arith.cmpi ne, %convert_element_type3A_156, %cond3A_157 : i32
          scf.if %cond3A_158 {
            %dma_wait3A_184 = arith.constant 0 : i32
            %dma_wait3A_185 = arith.constant 0 : i32
            %dma_wait3A_186 = tpu.memref_slice %arg21[%dma_wait3A_184, %dma_wait3A_185] : memref<10240x128xf32, #tpu.memory_space<vmem_shared>> -> memref<10240x128xf32, #tpu.memory_space<vmem_shared>>
            tpu.wait_indirect_dma semaphore(%arg28 : memref<!tpu.dma_semaphore, #tpu.memory_space<semaphore_mem>>) src(%arg7 : memref<64x128xf32, #tpu.memory_space<vmem>>) dst(%dma_wait3A_186 : memref<10240x128xf32, #tpu.memory_space<vmem_shared>>)
          } else {
          }
          %add3A_159 = arith.constant 2 : i32
          %add3A_160 = arith.addi %add3A_88, %add3A_159 : i32
          %dma_wait3A_161 = arith.constant 0 : i32
          %dma_wait3A_162 = tpu.memref_slice %arg3[%mul3A_0, %dma_wait3A_161] : memref<5120x64xi32, #tpu.memory_space<hbm>> -> memref<1x64xi32, #tpu.memory_space<hbm>>
          %dma_wait3A_163 = tpu.memref_squeeze %dma_wait3A_162 : memref<1x64xi32, #tpu.memory_space<hbm>> -> memref<64xi32, #tpu.memory_space<hbm>>
          %dma_wait3A_164 = arith.constant 0 : i32
          %dma_wait3A_165 = tpu.memref_slice %arg3[%mul3A_0, %dma_wait3A_164] : memref<5120x64xi32, #tpu.memory_space<hbm>> -> memref<1x64xi32, #tpu.memory_space<hbm>>
          %dma_wait3A_166 = tpu.memref_squeeze %dma_wait3A_165 : memref<1x64xi32, #tpu.memory_space<hbm>> -> memref<64xi32, #tpu.memory_space<hbm>>
          tpu.wait_dma2 semaphore(%arg32 : memref<!tpu.dma_semaphore, #tpu.memory_space<semaphore_mem>>) src(%dma_wait3A_166 : memref<64xi32, #tpu.memory_space<hbm>>) dst(%arg11 : memref<64xi32, #tpu.memory_space<vmem>>)
          %scan3A_167 = arith.constant 0 : i32
          %scan3A_168 = arith.constant 0 : i32
          %scan3A_169 = arith.constant 4 : i32
          %scan3A_170 = arith.addi %scan3A_168, %scan3A_169 : i32
          %scan3A_171 = arith.constant 1 : i32
          %scan3A_172 = scf.for %scan3A_184 = %scan3A_168 to %scan3A_170 step %scan3A_171 iter_args(%scan3A_185 = %scan3A_167) -> (i32)  : i32 {
            %mul3A_186 = arith.constant 16 : i32
            %mul3A_187 = arith.muli %scan3A_184, %mul3A_186 : i32
            %get3A = arith.index_cast %mul3A_187 : i32 to index
            %get3A_188 = tpu.vector_load %arg11[%get3A] {strides = array<i32>} : memref<64xi32, #tpu.memory_space<vmem>>, vector<16xi32>,
            %get3A_189 = vector.shape_cast %get3A_188 : vector<16xi32> to vector<16xi32>
            %and3A = arith.constant 16383 : i32
            %and3A_190 = vector.broadcast %and3A : i32 to vector<16xi32>
            %and3A_191 = arith.andi %get3A_189, %and3A_190 : vector<16xi32>
            %mul3A_192 = arith.constant 16 : i32
            %mul3A_193 = arith.muli %scan3A_184, %mul3A_192 : i32
            %swap3A = arith.index_cast %mul3A_193 : i32 to index
            %swap3A_194 = tpu.vector_load %arg15[%swap3A] {strides = array<i32>} : memref<64xi32, #tpu.memory_space<vmem>>, vector<16xi32>,
            %swap3A_195 = vector.shape_cast %swap3A_194 : vector<16xi32> to vector<16xi32>
            %swap3A_196 = vector.shape_cast %and3A_191 : vector<16xi32> to vector<16xi32>
            tpu.vector_store %arg15[%swap3A], %swap3A_196 {strides = array<i32>} : memref<64xi32, #tpu.memory_space<vmem>>, vector<16xi32>,
            %shift_right_logical3A = arith.constant 14 : i32
            %shift_right_logical3A_197 = vector.broadcast %shift_right_logical3A : i32 to vector<16xi32>
            %shift_right_logical3A_198 = arith.shrui %get3A_189, %shift_right_logical3A_197 : vector<16xi32>
            %mul3A_199 = arith.constant 16 : i32
            %mul3A_200 = arith.muli %scan3A_184, %mul3A_199 : i32
            %swap3A_201 = arith.index_cast %mul3A_200 : i32 to index
            %swap3A_202 = tpu.vector_load %arg19[%swap3A_201] {strides = array<i32>} : memref<64xi32, #tpu.memory_space<vmem>>, vector<16xi32>,
            %swap3A_203 = vector.shape_cast %swap3A_202 : vector<16xi32> to vector<16xi32>
            %swap3A_204 = vector.shape_cast %shift_right_logical3A_198 : vector<16xi32> to vector<16xi32>
            tpu.vector_store %arg19[%swap3A_201], %swap3A_204 {strides = array<i32>} : memref<64xi32, #tpu.memory_space<vmem>>, vector<16xi32>,
            %scan3A_205 = arith.constant 0 : i32
            scf.yield %scan3A_205 : i32
          }
          %scan3A_173 = arith.constant 4 : i32
          %add3A_174 = arith.constant 4 : i32
          %add3A_175 = arith.addi %add3A_160, %add3A_174 : i32
          %lt3A_176 = arith.constant 320 : i32
          %lt3A_177 = arith.cmpi slt, %add3A_175, %lt3A_176 : i32
          %convert_element_type3A_178 = arith.extui %lt3A_177 : i1 to i32
          %cond3A_179 = arith.constant 0 : i32
          %cond3A_180 = arith.cmpi ne, %convert_element_type3A_178, %cond3A_179 : i32
          scf.if %cond3A_180 {
            %add3A_184 = arith.addi %mul3A_0, %add3A_160 : i32
            %add3A_185 = arith.constant 4 : i32
            %add3A_186 = arith.addi %add3A_184, %add3A_185 : i32
            %dma_start3A_187 = arith.constant 0 : i32
            %dma_start3A_188 = tpu.memref_slice %arg3[%add3A_186, %dma_start3A_187] : memref<5120x64xi32, #tpu.memory_space<hbm>> -> memref<1x64xi32, #tpu.memory_space<hbm>>
            %dma_start3A_189 = tpu.memref_squeeze %dma_start3A_188 : memref<1x64xi32, #tpu.memory_space<hbm>> -> memref<64xi32, #tpu.memory_space<hbm>>
            %dma_start3A_190 = arith.constant 0 : i32
            %dma_start3A_191 = tpu.memref_slice %arg3[%add3A_186, %dma_start3A_190] : memref<5120x64xi32, #tpu.memory_space<hbm>> -> memref<1x64xi32, #tpu.memory_space<hbm>>
            %dma_start3A_192 = tpu.memref_squeeze %dma_start3A_191 : memref<1x64xi32, #tpu.memory_space<hbm>> -> memref<64xi32, #tpu.memory_space<hbm>>
            tpu.enqueue_dma source(%dma_start3A_192 : memref<64xi32, #tpu.memory_space<hbm>>) target(%arg11 : memref<64xi32, #tpu.memory_space<vmem>>) target_semaphore(%arg32 : memref<!tpu.dma_semaphore, #tpu.memory_space<semaphore_mem>>)
          } else {
          }
          %dma_start3A_181 = arith.constant 0 : i32
          %dma_start3A_182 = arith.constant 0 : i32
          %dma_start3A_183 = tpu.memref_slice %arg2[%dma_start3A_181, %dma_start3A_182] : memref<10240x128xf32, #tpu.memory_space<hbm>> -> memref<10240x128xf32, #tpu.memory_space<hbm>>
          tpu.enqueue_indirect_dma source(%dma_start3A_183 : memref<10240x128xf32, #tpu.memory_space<hbm>>) target(%arg7 : memref<64x128xf32, #tpu.memory_space<vmem>>) offsets(%arg15 : memref<64xi32, #tpu.memory_space<vmem>>) semaphore(%arg24 : memref<!tpu.dma_semaphore, #tpu.memory_space<semaphore_mem>>)
        } else {
        }
        %dma_wait3A_95 = arith.constant 0 : i32
        %dma_wait3A_96 = arith.constant 0 : i32
        %dma_wait3A_97 = tpu.memref_slice %arg2[%dma_wait3A_95, %dma_wait3A_96] : memref<10240x128xf32, #tpu.memory_space<hbm>> -> memref<10240x128xf32, #tpu.memory_space<hbm>>
        tpu.wait_indirect_dma semaphore(%arg22 : memref<!tpu.dma_semaphore, #tpu.memory_space<semaphore_mem>>) src(%dma_wait3A_97 : memref<10240x128xf32, #tpu.memory_space<hbm>>) dst(%arg5 : memref<64x128xf32, #tpu.memory_space<vmem>>)
        %dma_start3A_98 = arith.constant 0 : i32
        %dma_start3A_99 = arith.constant 0 : i32
        %dma_start3A_100 = tpu.memref_slice %arg21[%dma_start3A_98, %dma_start3A_99] : memref<10240x128xf32, #tpu.memory_space<vmem_shared>> -> memref<10240x128xf32, #tpu.memory_space<vmem_shared>>
        tpu.enqueue_indirect_dma source(%arg5 : memref<64x128xf32, #tpu.memory_space<vmem>>) target(%dma_start3A_100 : memref<10240x128xf32, #tpu.memory_space<vmem_shared>>) offsets(%arg17 : memref<64xi32, #tpu.memory_space<vmem>>) semaphore(%arg26 : memref<!tpu.dma_semaphore, #tpu.memory_space<semaphore_mem>>) {add = true}
        %mul3A_101 = arith.constant 4 : i32
        %mul3A_102 = arith.muli %scan3A_83, %mul3A_101 : i32
        %add3A_103 = arith.constant 1 : i32
        %add3A_104 = arith.addi %mul3A_102, %add3A_103 : i32
        %add3A_105 = arith.constant 2 : i32
        %add3A_106 = arith.addi %add3A_104, %add3A_105 : i32
        %lt3A_107 = arith.constant 320 : i32
        %lt3A_108 = arith.cmpi slt, %add3A_106, %lt3A_107 : i32
        %convert_element_type3A_109 = arith.extui %lt3A_108 : i1 to i32
        %cond3A_110 = arith.constant 0 : i32
        %cond3A_111 = arith.cmpi ne, %convert_element_type3A_109, %cond3A_110 : i32
        scf.if %cond3A_111 {
          %add3A_153 = arith.constant 2 : i32
          %add3A_154 = arith.addi %add3A_104, %add3A_153 : i32
          %ge3A = arith.constant 4 : i32
          %ge3A_155 = arith.cmpi sge, %add3A_154, %ge3A : i32
          %convert_element_type3A_156 = arith.extui %ge3A_155 : i1 to i32
          %cond3A_157 = arith.constant 0 : i32
          %cond3A_158 = arith.cmpi ne, %convert_element_type3A_156, %cond3A_157 : i32
          scf.if %cond3A_158 {
            %dma_wait3A_184 = arith.constant 0 : i32
            %dma_wait3A_185 = arith.constant 0 : i32
            %dma_wait3A_186 = tpu.memref_slice %arg21[%dma_wait3A_184, %dma_wait3A_185] : memref<10240x128xf32, #tpu.memory_space<vmem_shared>> -> memref<10240x128xf32, #tpu.memory_space<vmem_shared>>
            tpu.wait_indirect_dma semaphore(%arg29 : memref<!tpu.dma_semaphore, #tpu.memory_space<semaphore_mem>>) src(%arg8 : memref<64x128xf32, #tpu.memory_space<vmem>>) dst(%dma_wait3A_186 : memref<10240x128xf32, #tpu.memory_space<vmem_shared>>)
          } else {
          }
          %add3A_159 = arith.constant 2 : i32
          %add3A_160 = arith.addi %add3A_104, %add3A_159 : i32
          %dma_wait3A_161 = arith.constant 0 : i32
          %dma_wait3A_162 = tpu.memref_slice %arg3[%mul3A_0, %dma_wait3A_161] : memref<5120x64xi32, #tpu.memory_space<hbm>> -> memref<1x64xi32, #tpu.memory_space<hbm>>
          %dma_wait3A_163 = tpu.memref_squeeze %dma_wait3A_162 : memref<1x64xi32, #tpu.memory_space<hbm>> -> memref<64xi32, #tpu.memory_space<hbm>>
          %dma_wait3A_164 = arith.constant 0 : i32
          %dma_wait3A_165 = tpu.memref_slice %arg3[%mul3A_0, %dma_wait3A_164] : memref<5120x64xi32, #tpu.memory_space<hbm>> -> memref<1x64xi32, #tpu.memory_space<hbm>>
          %dma_wait3A_166 = tpu.memref_squeeze %dma_wait3A_165 : memref<1x64xi32, #tpu.memory_space<hbm>> -> memref<64xi32, #tpu.memory_space<hbm>>
          tpu.wait_dma2 semaphore(%arg33 : memref<!tpu.dma_semaphore, #tpu.memory_space<semaphore_mem>>) src(%dma_wait3A_166 : memref<64xi32, #tpu.memory_space<hbm>>) dst(%arg12 : memref<64xi32, #tpu.memory_space<vmem>>)
          %scan3A_167 = arith.constant 0 : i32
          %scan3A_168 = arith.constant 0 : i32
          %scan3A_169 = arith.constant 4 : i32
          %scan3A_170 = arith.addi %scan3A_168, %scan3A_169 : i32
          %scan3A_171 = arith.constant 1 : i32
          %scan3A_172 = scf.for %scan3A_184 = %scan3A_168 to %scan3A_170 step %scan3A_171 iter_args(%scan3A_185 = %scan3A_167) -> (i32)  : i32 {
            %mul3A_186 = arith.constant 16 : i32
            %mul3A_187 = arith.muli %scan3A_184, %mul3A_186 : i32
            %get3A = arith.index_cast %mul3A_187 : i32 to index
            %get3A_188 = tpu.vector_load %arg12[%get3A] {strides = array<i32>} : memref<64xi32, #tpu.memory_space<vmem>>, vector<16xi32>,
            %get3A_189 = vector.shape_cast %get3A_188 : vector<16xi32> to vector<16xi32>
            %and3A = arith.constant 16383 : i32
            %and3A_190 = vector.broadcast %and3A : i32 to vector<16xi32>
            %and3A_191 = arith.andi %get3A_189, %and3A_190 : vector<16xi32>
            %mul3A_192 = arith.constant 16 : i32
            %mul3A_193 = arith.muli %scan3A_184, %mul3A_192 : i32
            %swap3A = arith.index_cast %mul3A_193 : i32 to index
            %swap3A_194 = tpu.vector_load %arg16[%swap3A] {strides = array<i32>} : memref<64xi32, #tpu.memory_space<vmem>>, vector<16xi32>,
            %swap3A_195 = vector.shape_cast %swap3A_194 : vector<16xi32> to vector<16xi32>
            %swap3A_196 = vector.shape_cast %and3A_191 : vector<16xi32> to vector<16xi32>
            tpu.vector_store %arg16[%swap3A], %swap3A_196 {strides = array<i32>} : memref<64xi32, #tpu.memory_space<vmem>>, vector<16xi32>,
            %shift_right_logical3A = arith.constant 14 : i32
            %shift_right_logical3A_197 = vector.broadcast %shift_right_logical3A : i32 to vector<16xi32>
            %shift_right_logical3A_198 = arith.shrui %get3A_189, %shift_right_logical3A_197 : vector<16xi32>
            %mul3A_199 = arith.constant 16 : i32
            %mul3A_200 = arith.muli %scan3A_184, %mul3A_199 : i32
            %swap3A_201 = arith.index_cast %mul3A_200 : i32 to index
            %swap3A_202 = tpu.vector_load %arg20[%swap3A_201] {strides = array<i32>} : memref<64xi32, #tpu.memory_space<vmem>>, vector<16xi32>,
            %swap3A_203 = vector.shape_cast %swap3A_202 : vector<16xi32> to vector<16xi32>
            %swap3A_204 = vector.shape_cast %shift_right_logical3A_198 : vector<16xi32> to vector<16xi32>
            tpu.vector_store %arg20[%swap3A_201], %swap3A_204 {strides = array<i32>} : memref<64xi32, #tpu.memory_space<vmem>>, vector<16xi32>,
            %scan3A_205 = arith.constant 0 : i32
            scf.yield %scan3A_205 : i32
          }
          %scan3A_173 = arith.constant 4 : i32
          %add3A_174 = arith.constant 4 : i32
          %add3A_175 = arith.addi %add3A_160, %add3A_174 : i32
          %lt3A_176 = arith.constant 320 : i32
          %lt3A_177 = arith.cmpi slt, %add3A_175, %lt3A_176 : i32
          %convert_element_type3A_178 = arith.extui %lt3A_177 : i1 to i32
          %cond3A_179 = arith.constant 0 : i32
          %cond3A_180 = arith.cmpi ne, %convert_element_type3A_178, %cond3A_179 : i32
          scf.if %cond3A_180 {
            %add3A_184 = arith.addi %mul3A_0, %add3A_160 : i32
            %add3A_185 = arith.constant 4 : i32
            %add3A_186 = arith.addi %add3A_184, %add3A_185 : i32
            %dma_start3A_187 = arith.constant 0 : i32
            %dma_start3A_188 = tpu.memref_slice %arg3[%add3A_186, %dma_start3A_187] : memref<5120x64xi32, #tpu.memory_space<hbm>> -> memref<1x64xi32, #tpu.memory_space<hbm>>
            %dma_start3A_189 = tpu.memref_squeeze %dma_start3A_188 : memref<1x64xi32, #tpu.memory_space<hbm>> -> memref<64xi32, #tpu.memory_space<hbm>>
            %dma_start3A_190 = arith.constant 0 : i32
            %dma_start3A_191 = tpu.memref_slice %arg3[%add3A_186, %dma_start3A_190] : memref<5120x64xi32, #tpu.memory_space<hbm>> -> memref<1x64xi32, #tpu.memory_space<hbm>>
            %dma_start3A_192 = tpu.memref_squeeze %dma_start3A_191 : memref<1x64xi32, #tpu.memory_space<hbm>> -> memref<64xi32, #tpu.memory_space<hbm>>
            tpu.enqueue_dma source(%dma_start3A_192 : memref<64xi32, #tpu.memory_space<hbm>>) target(%arg12 : memref<64xi32, #tpu.memory_space<vmem>>) target_semaphore(%arg33 : memref<!tpu.dma_semaphore, #tpu.memory_space<semaphore_mem>>)
          } else {
          }
          %dma_start3A_181 = arith.constant 0 : i32
          %dma_start3A_182 = arith.constant 0 : i32
          %dma_start3A_183 = tpu.memref_slice %arg2[%dma_start3A_181, %dma_start3A_182] : memref<10240x128xf32, #tpu.memory_space<hbm>> -> memref<10240x128xf32, #tpu.memory_space<hbm>>
          tpu.enqueue_indirect_dma source(%dma_start3A_183 : memref<10240x128xf32, #tpu.memory_space<hbm>>) target(%arg8 : memref<64x128xf32, #tpu.memory_space<vmem>>) offsets(%arg16 : memref<64xi32, #tpu.memory_space<vmem>>) semaphore(%arg25 : memref<!tpu.dma_semaphore, #tpu.memory_space<semaphore_mem>>)
        } else {
        }
        %dma_wait3A_112 = arith.constant 0 : i32
        %dma_wait3A_113 = arith.constant 0 : i32
        %dma_wait3A_114 = tpu.memref_slice %arg2[%dma_wait3A_112, %dma_wait3A_113] : memref<10240x128xf32, #tpu.memory_space<hbm>> -> memref<10240x128xf32, #tpu.memory_space<hbm>>
        tpu.wait_indirect_dma semaphore(%arg23 : memref<!tpu.dma_semaphore, #tpu.memory_space<semaphore_mem>>) src(%dma_wait3A_114 : memref<10240x128xf32, #tpu.memory_space<hbm>>) dst(%arg6 : memref<64x128xf32, #tpu.memory_space<vmem>>)
        %dma_start3A_115 = arith.constant 0 : i32
        %dma_start3A_116 = arith.constant 0 : i32
        %dma_start3A_117 = tpu.memref_slice %arg21[%dma_start3A_115, %dma_start3A_116] : memref<10240x128xf32, #tpu.memory_space<vmem_shared>> -> memref<10240x128xf32, #tpu.memory_space<vmem_shared>>
        tpu.enqueue_indirect_dma source(%arg6 : memref<64x128xf32, #tpu.memory_space<vmem>>) target(%dma_start3A_117 : memref<10240x128xf32, #tpu.memory_space<vmem_shared>>) offsets(%arg18 : memref<64xi32, #tpu.memory_space<vmem>>) semaphore(%arg27 : memref<!tpu.dma_semaphore, #tpu.memory_space<semaphore_mem>>) {add = true}
        %mul3A_118 = arith.constant 4 : i32
        %mul3A_119 = arith.muli %scan3A_83, %mul3A_118 : i32
        %add3A_120 = arith.constant 2 : i32
        %add3A_121 = arith.addi %mul3A_119, %add3A_120 : i32
        %add3A_122 = arith.constant 2 : i32
        %add3A_123 = arith.addi %add3A_121, %add3A_122 : i32
        %lt3A_124 = arith.constant 320 : i32
        %lt3A_125 = arith.cmpi slt, %add3A_123, %lt3A_124 : i32
        %convert_element_type3A_126 = arith.extui %lt3A_125 : i1 to i32
        %cond3A_127 = arith.constant 0 : i32
        %cond3A_128 = arith.cmpi ne, %convert_element_type3A_126, %cond3A_127 : i32
        scf.if %cond3A_128 {
          %add3A_153 = arith.constant 2 : i32
          %add3A_154 = arith.addi %add3A_121, %add3A_153 : i32
          %ge3A = arith.constant 4 : i32
          %ge3A_155 = arith.cmpi sge, %add3A_154, %ge3A : i32
          %convert_element_type3A_156 = arith.extui %ge3A_155 : i1 to i32
          %cond3A_157 = arith.constant 0 : i32
          %cond3A_158 = arith.cmpi ne, %convert_element_type3A_156, %cond3A_157 : i32
          scf.if %cond3A_158 {
            %dma_wait3A_184 = arith.constant 0 : i32
            %dma_wait3A_185 = arith.constant 0 : i32
            %dma_wait3A_186 = tpu.memref_slice %arg21[%dma_wait3A_184, %dma_wait3A_185] : memref<10240x128xf32, #tpu.memory_space<vmem_shared>> -> memref<10240x128xf32, #tpu.memory_space<vmem_shared>>
            tpu.wait_indirect_dma semaphore(%arg26 : memref<!tpu.dma_semaphore, #tpu.memory_space<semaphore_mem>>) src(%arg5 : memref<64x128xf32, #tpu.memory_space<vmem>>) dst(%dma_wait3A_186 : memref<10240x128xf32, #tpu.memory_space<vmem_shared>>)
          } else {
          }
          %add3A_159 = arith.constant 2 : i32
          %add3A_160 = arith.addi %add3A_121, %add3A_159 : i32
          %dma_wait3A_161 = arith.constant 0 : i32
          %dma_wait3A_162 = tpu.memref_slice %arg3[%mul3A_0, %dma_wait3A_161] : memref<5120x64xi32, #tpu.memory_space<hbm>> -> memref<1x64xi32, #tpu.memory_space<hbm>>
          %dma_wait3A_163 = tpu.memref_squeeze %dma_wait3A_162 : memref<1x64xi32, #tpu.memory_space<hbm>> -> memref<64xi32, #tpu.memory_space<hbm>>
          %dma_wait3A_164 = arith.constant 0 : i32
          %dma_wait3A_165 = tpu.memref_slice %arg3[%mul3A_0, %dma_wait3A_164] : memref<5120x64xi32, #tpu.memory_space<hbm>> -> memref<1x64xi32, #tpu.memory_space<hbm>>
          %dma_wait3A_166 = tpu.memref_squeeze %dma_wait3A_165 : memref<1x64xi32, #tpu.memory_space<hbm>> -> memref<64xi32, #tpu.memory_space<hbm>>
          tpu.wait_dma2 semaphore(%arg30 : memref<!tpu.dma_semaphore, #tpu.memory_space<semaphore_mem>>) src(%dma_wait3A_166 : memref<64xi32, #tpu.memory_space<hbm>>) dst(%arg9 : memref<64xi32, #tpu.memory_space<vmem>>)
          %scan3A_167 = arith.constant 0 : i32
          %scan3A_168 = arith.constant 0 : i32
          %scan3A_169 = arith.constant 4 : i32
          %scan3A_170 = arith.addi %scan3A_168, %scan3A_169 : i32
          %scan3A_171 = arith.constant 1 : i32
          %scan3A_172 = scf.for %scan3A_184 = %scan3A_168 to %scan3A_170 step %scan3A_171 iter_args(%scan3A_185 = %scan3A_167) -> (i32)  : i32 {
            %mul3A_186 = arith.constant 16 : i32
            %mul3A_187 = arith.muli %scan3A_184, %mul3A_186 : i32
            %get3A = arith.index_cast %mul3A_187 : i32 to index
            %get3A_188 = tpu.vector_load %arg9[%get3A] {strides = array<i32>} : memref<64xi32, #tpu.memory_space<vmem>>, vector<16xi32>,
            %get3A_189 = vector.shape_cast %get3A_188 : vector<16xi32> to vector<16xi32>
            %and3A = arith.constant 16383 : i32
            %and3A_190 = vector.broadcast %and3A : i32 to vector<16xi32>
            %and3A_191 = arith.andi %get3A_189, %and3A_190 : vector<16xi32>
            %mul3A_192 = arith.constant 16 : i32
            %mul3A_193 = arith.muli %scan3A_184, %mul3A_192 : i32
            %swap3A = arith.index_cast %mul3A_193 : i32 to index
            %swap3A_194 = tpu.vector_load %arg13[%swap3A] {strides = array<i32>} : memref<64xi32, #tpu.memory_space<vmem>>, vector<16xi32>,
            %swap3A_195 = vector.shape_cast %swap3A_194 : vector<16xi32> to vector<16xi32>
            %swap3A_196 = vector.shape_cast %and3A_191 : vector<16xi32> to vector<16xi32>
            tpu.vector_store %arg13[%swap3A], %swap3A_196 {strides = array<i32>} : memref<64xi32, #tpu.memory_space<vmem>>, vector<16xi32>,
            %shift_right_logical3A = arith.constant 14 : i32
            %shift_right_logical3A_197 = vector.broadcast %shift_right_logical3A : i32 to vector<16xi32>
            %shift_right_logical3A_198 = arith.shrui %get3A_189, %shift_right_logical3A_197 : vector<16xi32>
            %mul3A_199 = arith.constant 16 : i32
            %mul3A_200 = arith.muli %scan3A_184, %mul3A_199 : i32
            %swap3A_201 = arith.index_cast %mul3A_200 : i32 to index
            %swap3A_202 = tpu.vector_load %arg17[%swap3A_201] {strides = array<i32>} : memref<64xi32, #tpu.memory_space<vmem>>, vector<16xi32>,
            %swap3A_203 = vector.shape_cast %swap3A_202 : vector<16xi32> to vector<16xi32>
            %swap3A_204 = vector.shape_cast %shift_right_logical3A_198 : vector<16xi32> to vector<16xi32>
            tpu.vector_store %arg17[%swap3A_201], %swap3A_204 {strides = array<i32>} : memref<64xi32, #tpu.memory_space<vmem>>, vector<16xi32>,
            %scan3A_205 = arith.constant 0 : i32
            scf.yield %scan3A_205 : i32
          }
          %scan3A_173 = arith.constant 4 : i32
          %add3A_174 = arith.constant 4 : i32
          %add3A_175 = arith.addi %add3A_160, %add3A_174 : i32
          %lt3A_176 = arith.constant 320 : i32
          %lt3A_177 = arith.cmpi slt, %add3A_175, %lt3A_176 : i32
          %convert_element_type3A_178 = arith.extui %lt3A_177 : i1 to i32
          %cond3A_179 = arith.constant 0 : i32
          %cond3A_180 = arith.cmpi ne, %convert_element_type3A_178, %cond3A_179 : i32
          scf.if %cond3A_180 {
            %add3A_184 = arith.addi %mul3A_0, %add3A_160 : i32
            %add3A_185 = arith.constant 4 : i32
            %add3A_186 = arith.addi %add3A_184, %add3A_185 : i32
            %dma_start3A_187 = arith.constant 0 : i32
            %dma_start3A_188 = tpu.memref_slice %arg3[%add3A_186, %dma_start3A_187] : memref<5120x64xi32, #tpu.memory_space<hbm>> -> memref<1x64xi32, #tpu.memory_space<hbm>>
            %dma_start3A_189 = tpu.memref_squeeze %dma_start3A_188 : memref<1x64xi32, #tpu.memory_space<hbm>> -> memref<64xi32, #tpu.memory_space<hbm>>
            %dma_start3A_190 = arith.constant 0 : i32
            %dma_start3A_191 = tpu.memref_slice %arg3[%add3A_186, %dma_start3A_190] : memref<5120x64xi32, #tpu.memory_space<hbm>> -> memref<1x64xi32, #tpu.memory_space<hbm>>
            %dma_start3A_192 = tpu.memref_squeeze %dma_start3A_191 : memref<1x64xi32, #tpu.memory_space<hbm>> -> memref<64xi32, #tpu.memory_space<hbm>>
            tpu.enqueue_dma source(%dma_start3A_192 : memref<64xi32, #tpu.memory_space<hbm>>) target(%arg9 : memref<64xi32, #tpu.memory_space<vmem>>) target_semaphore(%arg30 : memref<!tpu.dma_semaphore, #tpu.memory_space<semaphore_mem>>)
          } else {
          }
          %dma_start3A_181 = arith.constant 0 : i32
          %dma_start3A_182 = arith.constant 0 : i32
          %dma_start3A_183 = tpu.memref_slice %arg2[%dma_start3A_181, %dma_start3A_182] : memref<10240x128xf32, #tpu.memory_space<hbm>> -> memref<10240x128xf32, #tpu.memory_space<hbm>>
          tpu.enqueue_indirect_dma source(%dma_start3A_183 : memref<10240x128xf32, #tpu.memory_space<hbm>>) target(%arg5 : memref<64x128xf32, #tpu.memory_space<vmem>>) offsets(%arg13 : memref<64xi32, #tpu.memory_space<vmem>>) semaphore(%arg22 : memref<!tpu.dma_semaphore, #tpu.memory_space<semaphore_mem>>)
        } else {
        }
        %dma_wait3A_129 = arith.constant 0 : i32
        %dma_wait3A_130 = arith.constant 0 : i32
        %dma_wait3A_131 = tpu.memref_slice %arg2[%dma_wait3A_129, %dma_wait3A_130] : memref<10240x128xf32, #tpu.memory_space<hbm>> -> memref<10240x128xf32, #tpu.memory_space<hbm>>
        tpu.wait_indirect_dma semaphore(%arg24 : memref<!tpu.dma_semaphore, #tpu.memory_space<semaphore_mem>>) src(%dma_wait3A_131 : memref<10240x128xf32, #tpu.memory_space<hbm>>) dst(%arg7 : memref<64x128xf32, #tpu.memory_space<vmem>>)
        %dma_start3A_132 = arith.constant 0 : i32
        %dma_start3A_133 = arith.constant 0 : i32
        %dma_start3A_134 = tpu.memref_slice %arg21[%dma_start3A_132, %dma_start3A_133] : memref<10240x128xf32, #tpu.memory_space<vmem_shared>> -> memref<10240x128xf32, #tpu.memory_space<vmem_shared>>
        tpu.enqueue_indirect_dma source(%arg7 : memref<64x128xf32, #tpu.memory_space<vmem>>) target(%dma_start3A_134 : memref<10240x128xf32, #tpu.memory_space<vmem_shared>>) offsets(%arg19 : memref<64xi32, #tpu.memory_space<vmem>>) semaphore(%arg28 : memref<!tpu.dma_semaphore, #tpu.memory_space<semaphore_mem>>) {add = true}
        %mul3A_135 = arith.constant 4 : i32
        %mul3A_136 = arith.muli %scan3A_83, %mul3A_135 : i32
        %add3A_137 = arith.constant 3 : i32
        %add3A_138 = arith.addi %mul3A_136, %add3A_137 : i32
        %add3A_139 = arith.constant 2 : i32
        %add3A_140 = arith.addi %add3A_138, %add3A_139 : i32
        %lt3A_141 = arith.constant 320 : i32
        %lt3A_142 = arith.cmpi slt, %add3A_140, %lt3A_141 : i32
        %convert_element_type3A_143 = arith.extui %lt3A_142 : i1 to i32
        %cond3A_144 = arith.constant 0 : i32
        %cond3A_145 = arith.cmpi ne, %convert_element_type3A_143, %cond3A_144 : i32
        scf.if %cond3A_145 {
          %add3A_153 = arith.constant 2 : i32
          %add3A_154 = arith.addi %add3A_138, %add3A_153 : i32
          %ge3A = arith.constant 4 : i32
          %ge3A_155 = arith.cmpi sge, %add3A_154, %ge3A : i32
          %convert_element_type3A_156 = arith.extui %ge3A_155 : i1 to i32
          %cond3A_157 = arith.constant 0 : i32
          %cond3A_158 = arith.cmpi ne, %convert_element_type3A_156, %cond3A_157 : i32
          scf.if %cond3A_158 {
            %dma_wait3A_184 = arith.constant 0 : i32
            %dma_wait3A_185 = arith.constant 0 : i32
            %dma_wait3A_186 = tpu.memref_slice %arg21[%dma_wait3A_184, %dma_wait3A_185] : memref<10240x128xf32, #tpu.memory_space<vmem_shared>> -> memref<10240x128xf32, #tpu.memory_space<vmem_shared>>
            tpu.wait_indirect_dma semaphore(%arg27 : memref<!tpu.dma_semaphore, #tpu.memory_space<semaphore_mem>>) src(%arg6 : memref<64x128xf32, #tpu.memory_space<vmem>>) dst(%dma_wait3A_186 : memref<10240x128xf32, #tpu.memory_space<vmem_shared>>)
          } else {
          }
          %add3A_159 = arith.constant 2 : i32
          %add3A_160 = arith.addi %add3A_138, %add3A_159 : i32
          %dma_wait3A_161 = arith.constant 0 : i32
          %dma_wait3A_162 = tpu.memref_slice %arg3[%mul3A_0, %dma_wait3A_161] : memref<5120x64xi32, #tpu.memory_space<hbm>> -> memref<1x64xi32, #tpu.memory_space<hbm>>
          %dma_wait3A_163 = tpu.memref_squeeze %dma_wait3A_162 : memref<1x64xi32, #tpu.memory_space<hbm>> -> memref<64xi32, #tpu.memory_space<hbm>>
          %dma_wait3A_164 = arith.constant 0 : i32
          %dma_wait3A_165 = tpu.memref_slice %arg3[%mul3A_0, %dma_wait3A_164] : memref<5120x64xi32, #tpu.memory_space<hbm>> -> memref<1x64xi32, #tpu.memory_space<hbm>>
          %dma_wait3A_166 = tpu.memref_squeeze %dma_wait3A_165 : memref<1x64xi32, #tpu.memory_space<hbm>> -> memref<64xi32, #tpu.memory_space<hbm>>
          tpu.wait_dma2 semaphore(%arg31 : memref<!tpu.dma_semaphore, #tpu.memory_space<semaphore_mem>>) src(%dma_wait3A_166 : memref<64xi32, #tpu.memory_space<hbm>>) dst(%arg10 : memref<64xi32, #tpu.memory_space<vmem>>)
          %scan3A_167 = arith.constant 0 : i32
          %scan3A_168 = arith.constant 0 : i32
          %scan3A_169 = arith.constant 4 : i32
          %scan3A_170 = arith.addi %scan3A_168, %scan3A_169 : i32
          %scan3A_171 = arith.constant 1 : i32
          %scan3A_172 = scf.for %scan3A_184 = %scan3A_168 to %scan3A_170 step %scan3A_171 iter_args(%scan3A_185 = %scan3A_167) -> (i32)  : i32 {
            %mul3A_186 = arith.constant 16 : i32
            %mul3A_187 = arith.muli %scan3A_184, %mul3A_186 : i32
            %get3A = arith.index_cast %mul3A_187 : i32 to index
            %get3A_188 = tpu.vector_load %arg10[%get3A] {strides = array<i32>} : memref<64xi32, #tpu.memory_space<vmem>>, vector<16xi32>,
            %get3A_189 = vector.shape_cast %get3A_188 : vector<16xi32> to vector<16xi32>
            %and3A = arith.constant 16383 : i32
            %and3A_190 = vector.broadcast %and3A : i32 to vector<16xi32>
            %and3A_191 = arith.andi %get3A_189, %and3A_190 : vector<16xi32>
            %mul3A_192 = arith.constant 16 : i32
            %mul3A_193 = arith.muli %scan3A_184, %mul3A_192 : i32
            %swap3A = arith.index_cast %mul3A_193 : i32 to index
            %swap3A_194 = tpu.vector_load %arg14[%swap3A] {strides = array<i32>} : memref<64xi32, #tpu.memory_space<vmem>>, vector<16xi32>,
            %swap3A_195 = vector.shape_cast %swap3A_194 : vector<16xi32> to vector<16xi32>
            %swap3A_196 = vector.shape_cast %and3A_191 : vector<16xi32> to vector<16xi32>
            tpu.vector_store %arg14[%swap3A], %swap3A_196 {strides = array<i32>} : memref<64xi32, #tpu.memory_space<vmem>>, vector<16xi32>,
            %shift_right_logical3A = arith.constant 14 : i32
            %shift_right_logical3A_197 = vector.broadcast %shift_right_logical3A : i32 to vector<16xi32>
            %shift_right_logical3A_198 = arith.shrui %get3A_189, %shift_right_logical3A_197 : vector<16xi32>
            %mul3A_199 = arith.constant 16 : i32
            %mul3A_200 = arith.muli %scan3A_184, %mul3A_199 : i32
            %swap3A_201 = arith.index_cast %mul3A_200 : i32 to index
            %swap3A_202 = tpu.vector_load %arg18[%swap3A_201] {strides = array<i32>} : memref<64xi32, #tpu.memory_space<vmem>>, vector<16xi32>,
            %swap3A_203 = vector.shape_cast %swap3A_202 : vector<16xi32> to vector<16xi32>
            %swap3A_204 = vector.shape_cast %shift_right_logical3A_198 : vector<16xi32> to vector<16xi32>
            tpu.vector_store %arg18[%swap3A_201], %swap3A_204 {strides = array<i32>} : memref<64xi32, #tpu.memory_space<vmem>>, vector<16xi32>,
            %scan3A_205 = arith.constant 0 : i32
            scf.yield %scan3A_205 : i32
          }
          %scan3A_173 = arith.constant 4 : i32
          %add3A_174 = arith.constant 4 : i32
          %add3A_175 = arith.addi %add3A_160, %add3A_174 : i32
          %lt3A_176 = arith.constant 320 : i32
          %lt3A_177 = arith.cmpi slt, %add3A_175, %lt3A_176 : i32
          %convert_element_type3A_178 = arith.extui %lt3A_177 : i1 to i32
          %cond3A_179 = arith.constant 0 : i32
          %cond3A_180 = arith.cmpi ne, %convert_element_type3A_178, %cond3A_179 : i32
          scf.if %cond3A_180 {
            %add3A_184 = arith.addi %mul3A_0, %add3A_160 : i32
            %add3A_185 = arith.constant 4 : i32
            %add3A_186 = arith.addi %add3A_184, %add3A_185 : i32
            %dma_start3A_187 = arith.constant 0 : i32
            %dma_start3A_188 = tpu.memref_slice %arg3[%add3A_186, %dma_start3A_187] : memref<5120x64xi32, #tpu.memory_space<hbm>> -> memref<1x64xi32, #tpu.memory_space<hbm>>
            %dma_start3A_189 = tpu.memref_squeeze %dma_start3A_188 : memref<1x64xi32, #tpu.memory_space<hbm>> -> memref<64xi32, #tpu.memory_space<hbm>>
            %dma_start3A_190 = arith.constant 0 : i32
            %dma_start3A_191 = tpu.memref_slice %arg3[%add3A_186, %dma_start3A_190] : memref<5120x64xi32, #tpu.memory_space<hbm>> -> memref<1x64xi32, #tpu.memory_space<hbm>>
            %dma_start3A_192 = tpu.memref_squeeze %dma_start3A_191 : memref<1x64xi32, #tpu.memory_space<hbm>> -> memref<64xi32, #tpu.memory_space<hbm>>
            tpu.enqueue_dma source(%dma_start3A_192 : memref<64xi32, #tpu.memory_space<hbm>>) target(%arg10 : memref<64xi32, #tpu.memory_space<vmem>>) target_semaphore(%arg31 : memref<!tpu.dma_semaphore, #tpu.memory_space<semaphore_mem>>)
          } else {
          }
          %dma_start3A_181 = arith.constant 0 : i32
          %dma_start3A_182 = arith.constant 0 : i32
          %dma_start3A_183 = tpu.memref_slice %arg2[%dma_start3A_181, %dma_start3A_182] : memref<10240x128xf32, #tpu.memory_space<hbm>> -> memref<10240x128xf32, #tpu.memory_space<hbm>>
          tpu.enqueue_indirect_dma source(%dma_start3A_183 : memref<10240x128xf32, #tpu.memory_space<hbm>>) target(%arg6 : memref<64x128xf32, #tpu.memory_space<vmem>>) offsets(%arg14 : memref<64xi32, #tpu.memory_space<vmem>>) semaphore(%arg23 : memref<!tpu.dma_semaphore, #tpu.memory_space<semaphore_mem>>)
        } else {
        }
        %dma_wait3A_146 = arith.constant 0 : i32
        %dma_wait3A_147 = arith.constant 0 : i32
        %dma_wait3A_148 = tpu.memref_slice %arg2[%dma_wait3A_146, %dma_wait3A_147] : memref<10240x128xf32, #tpu.memory_space<hbm>> -> memref<10240x128xf32, #tpu.memory_space<hbm>>
        tpu.wait_indirect_dma semaphore(%arg25 : memref<!tpu.dma_semaphore, #tpu.memory_space<semaphore_mem>>) src(%dma_wait3A_148 : memref<10240x128xf32, #tpu.memory_space<hbm>>) dst(%arg8 : memref<64x128xf32, #tpu.memory_space<vmem>>)
        %dma_start3A_149 = arith.constant 0 : i32
        %dma_start3A_150 = arith.constant 0 : i32
        %dma_start3A_151 = tpu.memref_slice %arg21[%dma_start3A_149, %dma_start3A_150] : memref<10240x128xf32, #tpu.memory_space<vmem_shared>> -> memref<10240x128xf32, #tpu.memory_space<vmem_shared>>
        tpu.enqueue_indirect_dma source(%arg8 : memref<64x128xf32, #tpu.memory_space<vmem>>) target(%dma_start3A_151 : memref<10240x128xf32, #tpu.memory_space<vmem_shared>>) offsets(%arg20 : memref<64xi32, #tpu.memory_space<vmem>>) semaphore(%arg29 : memref<!tpu.dma_semaphore, #tpu.memory_space<semaphore_mem>>) {add = true}
        %scan3A_152 = arith.constant 0 : i32
        scf.yield %scan3A_152 : i32
      }
      %scan3A_70 = arith.constant 80 : i32
      %dma_wait3A_71 = arith.constant 0 : i32
      %dma_wait3A_72 = arith.constant 0 : i32
      %dma_wait3A_73 = tpu.memref_slice %arg21[%dma_wait3A_71, %dma_wait3A_72] : memref<10240x128xf32, #tpu.memory_space<vmem_shared>> -> memref<10240x128xf32, #tpu.memory_space<vmem_shared>>
      tpu.wait_indirect_dma semaphore(%arg26 : memref<!tpu.dma_semaphore, #tpu.memory_space<semaphore_mem>>) src(%arg5 : memref<64x128xf32, #tpu.memory_space<vmem>>) dst(%dma_wait3A_73 : memref<10240x128xf32, #tpu.memory_space<vmem_shared>>)
      %dma_wait3A_74 = arith.constant 0 : i32
      %dma_wait3A_75 = arith.constant 0 : i32
      %dma_wait3A_76 = tpu.memref_slice %arg21[%dma_wait3A_74, %dma_wait3A_75] : memref<10240x128xf32, #tpu.memory_space<vmem_shared>> -> memref<10240x128xf32, #tpu.memory_space<vmem_shared>>
      tpu.wait_indirect_dma semaphore(%arg27 : memref<!tpu.dma_semaphore, #tpu.memory_space<semaphore_mem>>) src(%arg6 : memref<64x128xf32, #tpu.memory_space<vmem>>) dst(%dma_wait3A_76 : memref<10240x128xf32, #tpu.memory_space<vmem_shared>>)
      %dma_wait3A_77 = arith.constant 0 : i32
      %dma_wait3A_78 = arith.constant 0 : i32
      %dma_wait3A_79 = tpu.memref_slice %arg21[%dma_wait3A_77, %dma_wait3A_78] : memref<10240x128xf32, #tpu.memory_space<vmem_shared>> -> memref<10240x128xf32, #tpu.memory_space<vmem_shared>>
      tpu.wait_indirect_dma semaphore(%arg28 : memref<!tpu.dma_semaphore, #tpu.memory_space<semaphore_mem>>) src(%arg7 : memref<64x128xf32, #tpu.memory_space<vmem>>) dst(%dma_wait3A_79 : memref<10240x128xf32, #tpu.memory_space<vmem_shared>>)
      %dma_wait3A_80 = arith.constant 0 : i32
      %dma_wait3A_81 = arith.constant 0 : i32
      %dma_wait3A_82 = tpu.memref_slice %arg21[%dma_wait3A_80, %dma_wait3A_81] : memref<10240x128xf32, #tpu.memory_space<vmem_shared>> -> memref<10240x128xf32, #tpu.memory_space<vmem_shared>>
      tpu.wait_indirect_dma semaphore(%arg29 : memref<!tpu.dma_semaphore, #tpu.memory_space<semaphore_mem>>) src(%arg8 : memref<64x128xf32, #tpu.memory_space<vmem>>) dst(%dma_wait3A_82 : memref<10240x128xf32, #tpu.memory_space<vmem_shared>>)
    } else {
    }
    %barrier3A_10 = arith.constant 0 : index
    tpu.barrier barrier_id(%barrier3A_10)
    %eq3A_11 = arith.constant 0 : i32
    %eq3A_12 = arith.cmpi eq, %arg0, %eq3A_11 : i32
    %convert_element_type3A_13 = arith.extui %eq3A_12 : i1 to i32
    %cond3A_14 = arith.constant 0 : i32
    %cond3A_15 = arith.cmpi ne, %convert_element_type3A_13, %cond3A_14 : i32
    scf.if %cond3A_15 {
      %scan3A = arith.constant 0 : i32
      %scan3A_16 = arith.constant 0 : i32
      %scan3A_17 = arith.constant 10 : i32
      %scan3A_18 = arith.addi %scan3A_16, %scan3A_17 : i32
      %scan3A_19 = arith.constant 1 : i32
      %scan3A_20 = scf.for %scan3A_29 = %scan3A_16 to %scan3A_18 step %scan3A_19 iter_args(%scan3A_30 = %scan3A) -> (i32)  : i32 {
        %mul3A_31 = arith.constant 64 : i32
        %mul3A_32 = arith.muli %scan3A_29, %mul3A_31 : i32
        %add3A = arith.addi %mul3A_2, %mul3A_32 : i32
        %dma_start3A = arith.constant 0 : i32
        %dma_start3A_33 = tpu.memref_slice %arg4[%add3A, %dma_start3A] : memref<10240x128xf32, #tpu.memory_space<hbm>> -> memref<64x128xf32, #tpu.memory_space<hbm>>
        %dma_start3A_34 = arith.constant 0 : i32
        %dma_start3A_35 = tpu.memref_slice %arg21[%add3A, %dma_start3A_34] : memref<10240x128xf32, #tpu.memory_space<vmem_shared>> -> memref<64x128xf32, #tpu.memory_space<vmem_shared>>
        tpu.enqueue_dma source(%dma_start3A_35 : memref<64x128xf32, #tpu.memory_space<vmem_shared>>) target(%dma_start3A_33 : memref<64x128xf32, #tpu.memory_space<hbm>>) target_semaphore(%arg22 : memref<!tpu.dma_semaphore, #tpu.memory_space<semaphore_mem>>)
        %scan3A_36 = arith.constant 0 : i32
        scf.yield %scan3A_36 : i32
      }
      %scan3A_21 = arith.constant 10 : i32
      %scan3A_22 = arith.constant 0 : i32
      %scan3A_23 = arith.constant 0 : i32
      %scan3A_24 = arith.constant 10 : i32
      %scan3A_25 = arith.addi %scan3A_23, %scan3A_24 : i32
      %scan3A_26 = arith.constant 1 : i32
      %scan3A_27 = scf.for %scan3A_29 = %scan3A_23 to %scan3A_25 step %scan3A_26 iter_args(%scan3A_30 = %scan3A_22) -> (i32)  : i32 {
        %dma_wait3A = arith.constant 0 : i32
        %dma_wait3A_31 = tpu.memref_slice %arg4[%mul3A_2, %dma_wait3A] : memref<10240x128xf32, #tpu.memory_space<hbm>> -> memref<64x128xf32, #tpu.memory_space<hbm>>
        %dma_wait3A_32 = arith.constant 0 : i32
        %dma_wait3A_33 = tpu.memref_slice %arg21[%mul3A_2, %dma_wait3A_32] : memref<10240x128xf32, #tpu.memory_space<vmem_shared>> -> memref<64x128xf32, #tpu.memory_space<vmem_shared>>
        tpu.wait_dma2 semaphore(%arg22 : memref<!tpu.dma_semaphore, #tpu.memory_space<semaphore_mem>>) src(%dma_wait3A_33 : memref<64x128xf32, #tpu.memory_space<vmem_shared>>) dst(%dma_wait3A_31 : memref<64x128xf32, #tpu.memory_space<hbm>>)
        %scan3A_34 = arith.constant 0 : i32
        scf.yield %scan3A_34 : i32
      }
      %scan3A_28 = arith.constant 10 : i32
    } else {
    }
    return
  }
}

module attributes {stable_mosaic.version = 14 : i64} {
  func.func @_dense1_body(%arg0: i32, %arg1: memref<2x640x1xf32, #tpu.memory_space<vmem>>, %arg2: memref<640x128xf32, #tpu.memory_space<vmem>>, %arg3: memref<128x128xf32, #tpu.memory_space<vmem>>, %arg4: memref<640x128xf32, #tpu.memory_space<vmem>>, %arg5: memref<640x1xf32, #tpu.memory_space<vmem>>) attributes {dimension_semantics = [#tpu.dimension_semantics<arbitrary>], iteration_bounds = array<i64: 16>, scalar_prefetch = 0 : i64, scratch_operands = 0 : i64, tpu.core_type = #tpu.core_type<tc>, window_params = [{transform_indices = @transform_0, window_bounds = array<i64: 2, 640, 1>}, {transform_indices = @transform_1, window_bounds = array<i64: 640, 128>}, {pipeline_mode = #tpu.pipeline_mode<synchronous>, transform_indices = @transform_2, window_bounds = array<i64: 128, 128>}, {transform_indices = @transform_3, window_bounds = array<i64: 640, 128>}, {transform_indices = @transform_4, window_bounds = array<i64: 640, 1>}]} {
    %get3A = arith.constant 0 : index
    %get3A_0 = arith.constant 0 : index
    %get3A_1 = arith.constant 0 : index
    %get3A_2 = vector.load %arg1[%get3A, %get3A_0, %get3A_1] : memref<2x640x1xf32, #tpu.memory_space<vmem>>, vector<1x640x1xf32>
    %get3A_3 = vector.shape_cast %get3A_2 : vector<1x640x1xf32> to vector<640x1xf32>
    %get3A_4 = arith.constant 1 : index
    %get3A_5 = arith.constant 0 : index
    %get3A_6 = arith.constant 0 : index
    %get3A_7 = vector.load %arg1[%get3A_4, %get3A_5, %get3A_6] : memref<2x640x1xf32, #tpu.memory_space<vmem>>, vector<1x640x1xf32>
    %get3A_8 = vector.shape_cast %get3A_7 : vector<1x640x1xf32> to vector<640x1xf32>
    %add3A = arith.addf %get3A_3, %get3A_8 : vector<640x1xf32>
    %add3A_9 = arith.constant 1.000000e+00 : f32
    %add3A_10 = vector.broadcast %add3A_9 : f32 to vector<640x1xf32>
    %add3A_11 = arith.addf %add3A, %add3A_10 : vector<640x1xf32>
    %rsqrt3A = math.rsqrt %add3A_11 : vector<640x1xf32>
    %get3A_12 = arith.constant 0 : index
    %get3A_13 = arith.constant 0 : index
    %get3A_14 = vector.load %arg2[%get3A_12, %get3A_13] : memref<640x128xf32, #tpu.memory_space<vmem>>, vector<640x128xf32>
    %get3A_15 = arith.constant 0 : index
    %get3A_16 = arith.constant 0 : index
    %get3A_17 = vector.load %arg3[%get3A_15, %get3A_16] : memref<128x128xf32, #tpu.memory_space<vmem>>, vector<128x128xf32>
    %dot_general3A = arith.constant dense<0.000000e+00> : vector<640x128xf32>
    %dot_general3A_18 = tpu.matmul %get3A_14, %get3A_17, %dot_general3A {dimension_numbers = #tpu.dot_dimension_numbers<[1], [0], [0], [1], [0, 0, 1, 1], [], []>, transpose_lhs_hint = false} : vector<640x128xf32>, vector<128x128xf32>, vector<640x128xf32> -> vector<640x128xf32>
    %mul3A = vector.broadcast %rsqrt3A : vector<640x1xf32> to vector<640x128xf32>
    %mul3A_19 = arith.mulf %dot_general3A_18, %mul3A : vector<640x128xf32>
    %swap3A = arith.constant 0 : index
    %swap3A_20 = arith.constant 0 : index
    %swap3A_21 = vector.load %arg4[%swap3A, %swap3A_20] : memref<640x128xf32, #tpu.memory_space<vmem>>, vector<640x128xf32>
    tpu.vector_store %arg4[%swap3A, %swap3A_20], %mul3A_19 {strides = array<i32>} : memref<640x128xf32, #tpu.memory_space<vmem>>, vector<640x128xf32>,
    %swap3A_22 = arith.constant 0 : index
    %swap3A_23 = arith.constant 0 : index
    %swap3A_24 = vector.load %arg5[%swap3A_22, %swap3A_23] : memref<640x1xf32, #tpu.memory_space<vmem>>, vector<640x1xf32>
    tpu.vector_store %arg5[%swap3A_22, %swap3A_23], %rsqrt3A {strides = array<i32>} : memref<640x1xf32, #tpu.memory_space<vmem>>, vector<640x1xf32>,
    return
  }
  func.func @transform_0(%arg0: i32) -> (i32, i32, i32) {
    %c0_i32 = arith.constant 0 : i32
    %c0_i32_0 = arith.constant 0 : i32
    %c0_i32_1 = arith.constant 0 : i32
    return %c0_i32, %arg0, %c0_i32_0 : i32, i32, i32
  }
  func.func @transform_1(%arg0: i32) -> (i32, i32) {
    %c0_i32 = arith.constant 0 : i32
    %c0_i32_0 = arith.constant 0 : i32
    return %arg0, %c0_i32 : i32, i32
  }
  func.func @transform_2(%arg0: i32) -> (i32, i32) {
    %c0_i32 = arith.constant 0 : i32
    %c0_i32_0 = arith.constant 0 : i32
    %c0_i32_1 = arith.constant 0 : i32
    return %c0_i32, %c0_i32_0 : i32, i32
  }
  func.func @transform_3(%arg0: i32) -> (i32, i32) {
    %c0_i32 = arith.constant 0 : i32
    %c0_i32_0 = arith.constant 0 : i32
    return %arg0, %c0_i32 : i32, i32
  }
  func.func @transform_4(%arg0: i32) -> (i32, i32) {
    %c0_i32 = arith.constant 0 : i32
    %c0_i32_0 = arith.constant 0 : i32
    return %arg0, %c0_i32 : i32, i32
  }
}

module attributes {stable_mosaic.version = 14 : i64} {
  func.func @_dense2_body(%arg0: i32, %arg1: memref<640x128xf32, #tpu.memory_space<vmem>>, %arg2: memref<640x128xf32, #tpu.memory_space<vmem>>, %arg3: memref<640x1xf32, #tpu.memory_space<vmem>>, %arg4: memref<1x128xf32, #tpu.memory_space<vmem>>, %arg5: memref<128x128xf32, #tpu.memory_space<vmem>>, %arg6: memref<1x128xf32, #tpu.memory_space<vmem>>, %arg7: memref<640x128xf32, #tpu.memory_space<vmem>>) attributes {dimension_semantics = [#tpu.dimension_semantics<arbitrary>], iteration_bounds = array<i64: 16>, scalar_prefetch = 0 : i64, scratch_operands = 0 : i64, tpu.core_type = #tpu.core_type<tc>, window_params = [{transform_indices = @transform_0, window_bounds = array<i64: 640, 128>}, {transform_indices = @transform_1, window_bounds = array<i64: 640, 128>}, {transform_indices = @transform_2, window_bounds = array<i64: 640, 1>}, {pipeline_mode = #tpu.pipeline_mode<synchronous>, transform_indices = @transform_3, window_bounds = array<i64: 1, 128>}, {pipeline_mode = #tpu.pipeline_mode<synchronous>, transform_indices = @transform_4, window_bounds = array<i64: 128, 128>}, {pipeline_mode = #tpu.pipeline_mode<synchronous>, transform_indices = @transform_5, window_bounds = array<i64: 1, 128>}, {transform_indices = @transform_6, window_bounds = array<i64: 640, 128>}]} {
    %get3A = arith.constant 0 : index
    %get3A_0 = arith.constant 0 : index
    %get3A_1 = vector.load %arg1[%get3A, %get3A_0] : memref<640x128xf32, #tpu.memory_space<vmem>>, vector<640x128xf32>
    %get3A_2 = arith.constant 0 : index
    %get3A_3 = arith.constant 0 : index
    %get3A_4 = vector.load %arg2[%get3A_2, %get3A_3] : memref<640x128xf32, #tpu.memory_space<vmem>>, vector<640x128xf32>
    %add3A = arith.addf %get3A_1, %get3A_4 : vector<640x128xf32>
    %get3A_5 = arith.constant 0 : index
    %get3A_6 = arith.constant 0 : index
    %get3A_7 = vector.load %arg3[%get3A_5, %get3A_6] : memref<640x1xf32, #tpu.memory_space<vmem>>, vector<640x1xf32>
    %mul3A = vector.broadcast %get3A_7 : vector<640x1xf32> to vector<640x128xf32>
    %mul3A_8 = arith.mulf %add3A, %mul3A : vector<640x128xf32>
    %get3A_9 = arith.constant 0 : index
    %get3A_10 = arith.constant 0 : index
    %get3A_11 = vector.load %arg4[%get3A_9, %get3A_10] : memref<1x128xf32, #tpu.memory_space<vmem>>, vector<1x128xf32>
    %add3A_12 = vector.broadcast %get3A_11 : vector<1x128xf32> to vector<640x128xf32>
    %add3A_13 = arith.addf %mul3A_8, %add3A_12 : vector<640x128xf32>
    %max3A = arith.constant 0.000000e+00 : f32
    %max3A_14 = vector.broadcast %max3A : f32 to vector<640x128xf32>
    %max3A_15 = arith.maximumf %add3A_13, %max3A_14 : vector<640x128xf32>
    %get3A_16 = arith.constant 0 : index
    %get3A_17 = arith.constant 0 : index
    %get3A_18 = vector.load %arg5[%get3A_16, %get3A_17] : memref<128x128xf32, #tpu.memory_space<vmem>>, vector<128x128xf32>
    %dot_general3A = arith.constant dense<0.000000e+00> : vector<640x128xf32>
    %dot_general3A_19 = tpu.matmul %max3A_15, %get3A_18, %dot_general3A {dimension_numbers = #tpu.dot_dimension_numbers<[1], [0], [0], [1], [0, 0, 1, 1], [], []>, transpose_lhs_hint = false} : vector<640x128xf32>, vector<128x128xf32>, vector<640x128xf32> -> vector<640x128xf32>
    %get3A_20 = arith.constant 0 : index
    %get3A_21 = arith.constant 0 : index
    %get3A_22 = vector.load %arg6[%get3A_20, %get3A_21] : memref<1x128xf32, #tpu.memory_space<vmem>>, vector<1x128xf32>
    %add3A_23 = vector.broadcast %get3A_22 : vector<1x128xf32> to vector<640x128xf32>
    %add3A_24 = arith.addf %dot_general3A_19, %add3A_23 : vector<640x128xf32>
    %max3A_25 = arith.constant 0.000000e+00 : f32
    %max3A_26 = vector.broadcast %max3A_25 : f32 to vector<640x128xf32>
    %max3A_27 = arith.maximumf %add3A_24, %max3A_26 : vector<640x128xf32>
    %swap3A = arith.constant 0 : index
    %swap3A_28 = arith.constant 0 : index
    %swap3A_29 = vector.load %arg7[%swap3A, %swap3A_28] : memref<640x128xf32, #tpu.memory_space<vmem>>, vector<640x128xf32>
    tpu.vector_store %arg7[%swap3A, %swap3A_28], %max3A_27 {strides = array<i32>} : memref<640x128xf32, #tpu.memory_space<vmem>>, vector<640x128xf32>,
    return
  }
  func.func @transform_0(%arg0: i32) -> (i32, i32) {
    %c0_i32 = arith.constant 0 : i32
    %c0_i32_0 = arith.constant 0 : i32
    return %arg0, %c0_i32 : i32, i32
  }
  func.func @transform_1(%arg0: i32) -> (i32, i32) {
    %c0_i32 = arith.constant 0 : i32
    %c0_i32_0 = arith.constant 0 : i32
    return %arg0, %c0_i32 : i32, i32
  }
  func.func @transform_2(%arg0: i32) -> (i32, i32) {
    %c0_i32 = arith.constant 0 : i32
    %c0_i32_0 = arith.constant 0 : i32
    return %arg0, %c0_i32 : i32, i32
  }
  func.func @transform_3(%arg0: i32) -> (i32, i32) {
    %c0_i32 = arith.constant 0 : i32
    %c0_i32_0 = arith.constant 0 : i32
    %c0_i32_1 = arith.constant 0 : i32
    return %c0_i32, %c0_i32_0 : i32, i32
  }
  func.func @transform_4(%arg0: i32) -> (i32, i32) {
    %c0_i32 = arith.constant 0 : i32
    %c0_i32_0 = arith.constant 0 : i32
    %c0_i32_1 = arith.constant 0 : i32
    return %c0_i32, %c0_i32_0 : i32, i32
  }
  func.func @transform_5(%arg0: i32) -> (i32, i32) {
    %c0_i32 = arith.constant 0 : i32
    %c0_i32_0 = arith.constant 0 : i32
    %c0_i32_1 = arith.constant 0 : i32
    return %c0_i32, %c0_i32_0 : i32, i32
  }
  func.func @transform_6(%arg0: i32) -> (i32, i32) {
    %c0_i32 = arith.constant 0 : i32
    %c0_i32_0 = arith.constant 0 : i32
    return %arg0, %c0_i32 : i32, i32
  }
}

</mosaic_0001>

<sc_bundles>
// kernel: kernel.6.cloned.1.call-start
scs
__scs_entry_jumppad:
0x0: {  	(pc) =	sbr.rel $0x88, $3  }
0x1: {  	(tag) =	ssettag $0x0;
	lr =	simm.s32 $0x1  }
0x2: {  	[smem:$0x3F9B] =	sst lr;
	_ =	strace $0xD0000000  }
0x3: {  	_ = 	snop  }
0x4: {  	_ = 	snop  }
0x5: {  	_ = 	snop  }
0x6: {  	_ = 	snop  }
0x7: {  	_ = 	snop  }
__scs_overlays_trampoline_lowered:
0x8: {  	[smem:$0x3FAA] =	sst s0  }
0x9: {  	[smem:$0x3FAB] =	sst s1  }
0xa: {  	[smem:$0x3FAC] =	sst s2  }
0xb: {  	[smem:$0x3FAD] =	sst s3  }
0xc: {  	[smem:$0x3FAE] =	sst s4  }
0xd: {  	[smem:$0x3FAF] =	sst s5  }
0xe: {  	[smem:$0x3FB0] =	sst s6  }
0xf: {  	[smem:$0x3FB1] =	sst s7  }
0x10: {  	[smem:$0x3FB2] =	sst s8  }
0x11: {  	[smem:$0x3FB3] =	sst s9;
	s0 =	simm.s32 @!p0 $0x0  }
0x12: {  	s1 =	sld [smem:$0x3F99];
	s0 =	simm.s32 @p0 $0x1  }
0x13: {  	[smem:$0x3FB4] =	sst s0;
	s0 =	simm.s32 @!p1 $0x0  }
0x14: {  	s2 =	sld [smem:$0x3F98];
	s0 =	simm.s32 @p1 $0x1  }
0x15: {  	[smem:$0x3FB5] =	sst s0;
	s0 =	simm.s32 @!p2 $0x0  }
0x16: {  	s3 =	sld [smem:$0x3FDB];
	s0 =	simm.s32 @p2 $0x1  }
0x17: {  	s4 =	simm.s32 $0x1BF5;
	[smem:$0x3FB7] =	sst s0  }
0x18: {  	s0 =	sld [smem:$0x3F9A];
	_ =	swait.ge [sflag:s4], $0x0  }
0x19: {  	s7 =	sld [smem:$0x3F9B]  }
0x1a: {  	s8 =	sadd.s32 $0xFFFFE003, lr  }
0x1b: {  	s9 =	sadd.s32 $0xFFFFFEF7, lr;
	s5 =	simm.s32 $0xFFFFFFFF;
	p2 =	slt.u32 s8, $0xFFFFF086  }
0x1c: {  	p1 =	slt.u32 s9, $0xF7A;
	s5 =	simm.s32 @!p2 $0x0  }
0x1d: {  	s5 =	simm.s32 @p1 $0x1;
	p0 =	seq.s32 s7, s2  }
0x1e: {  	s7 =	smul.u32 @!p0 $0xF7A, s2;
	p2 =	seq.s32 @!p0 s5, $0x0  }
0x1f: {  	s9 =	smul.u32 $0xF7A, s1;
	s8 =	simm.s32 @!p0 $0x1BF5;
	p2 =	por !p2, p0  }
0x20: {  	[sflag:s8] =	ssyncset.s32 @!p0 $0xFFFFF086;
	s6 =	sadd.s32 @!p0 s3, s7;
	s7 =	simm.s32 @!p0 $0x108  }
0x21: {  	s3 =	sadd.s32 s3, s9;
	s6 =	sadd.s32 @!p0 $0x88, s6;
	s7 =	simm.s32 @p2 $0x1082  }
0x22: {  	[simem:s7], [sflag:s8] =	dma.local @!p0 [hbm:s6], $0xF7A  }
0x23: {  	s9 =	sor.u32 $0xD0000000, s2;
	s6 =	simm.s32 $0x108;
	_ =	swait.ge @!p0 [sflag:s8], $0x0  }
0x24: {  	s3 =	sadd.s32 $0x88, s3;
	s6 =	simm.s32 @!p1 $0x1082;
	[sflag:s4] =	ssyncset.s32 $0xFFFFF086  }
0x25: {  	[simem:s6], [sflag:s4] =	dma.local [hbm:s3], $0xF7A  }
0x26: {  	[smem:$0x3F9B] =	sst s1;
	(tag) =	ssettag s2;
	_ =	strace s9  }
0x27: {  	s1 =	sld [smem:$0x3FAB]  }
0x28: {  	s2 =	sld [smem:$0x3FAC]  }
0x29: {  	s4 =	sld [smem:$0x3FAE]  }
0x2a: {  	p0 =	seq.s32 s5, $0x0;
	s5 =	sld [smem:$0x3FAF]  }
0x2b: {  	s6 =	sld [smem:$0x3FB0]  }
0x2c: {  	s7 =	sld [smem:$0x3FB1]  }
0x2d: {  	s3 =	simm.s32 $0x108;
	s8 =	sld [smem:$0x3FB2]  }
0x2e: {  	s3 =	simm.s32 @!p0 $0x1082;
	s9 =	sld [smem:$0x3FB3]  }
0x2f: {  	lr =	sadd.s32 s0, s3;
	s0 =	sld [smem:$0x3FAA]  }
0x30: {  	s3 =	sld [smem:$0x3FAD]  }
0x31: {  	[smem:$0x3FB6] =	sst s10  }
0x32: {  	s10 =	sld [smem:$0x3FB4];
	_ =	sdelay $0x3  }
0x33: {  	p0 =	seq.s32 s10, $0x1;
	s10 =	sld [smem:$0x3FB6];
	_ =	sdelay $0x3  }
0x34: {  	[smem:$0x3FB6] =	sst s10  }
0x35: {  	s10 =	sld [smem:$0x3FB5];
	_ =	sdelay $0x3  }
0x36: {  	p1 =	seq.s32 s10, $0x1;
	s10 =	sld [smem:$0x3FB6];
	_ =	sdelay $0x3  }
0x37: {  	[smem:$0x3FB6] =	sst s10  }
0x38: {  	s10 =	sld [smem:$0x3FB7]  }
0x39: {  	_ = 	snop;
	(pc) =	sbr.ind lr, $3  }
0x3a: {  	_ = 	snop  }
0x3b: {  	_ = 	snop  }
0x3c: {  	p2 =	seq.s32 s10, $0x1;
	s10 =	sld [smem:$0x3FB6]  }
0x3d: {  	_ =	shalt  }
0x3e: {  	_ =	shalt  }
0x3f: {  	_ =	shalt  }
0x40: {  	_ =	shalt  }
0x41: {  	_ =	shalt  }
0x42: {  	_ =	shalt  }
0x43: {  	_ =	shalt  }
0x44: {  	_ =	shalt  }
0x45: {  	_ =	shalt  }
0x46: {  	_ =	shalt  }
0x47: {  	_ =	shalt  }
0x48: {  	_ =	shalt  }
0x49: {  	_ =	shalt  }
0x4a: {  	_ =	shalt  }
0x4b: {  	_ =	shalt  }
0x4c: {  	_ =	shalt  }
0x4d: {  	_ =	shalt  }
0x4e: {  	_ =	shalt  }
0x4f: {  	_ =	shalt  }
0x50: {  	_ =	shalt  }
0x51: {  	_ =	shalt  }
0x52: {  	_ =	shalt  }
0x53: {  	_ =	shalt  }
0x54: {  	_ =	shalt  }
0x55: {  	_ =	shalt  }
0x56: {  	_ =	shalt  }
0x57: {  	_ =	shalt  }
0x58: {  	_ =	shalt  }
0x59: {  	_ =	shalt  }
0x5a: {  	_ =	shalt  }
0x5b: {  	_ =	shalt  }
0x5c: {  	_ =	shalt  }
0x5d: {  	_ =	shalt  }
0x5e: {  	_ =	shalt  }
0x5f: {  	_ =	shalt  }
0x60: {  	_ =	shalt  }
0x61: {  	_ =	shalt  }
0x62: {  	_ =	shalt  }
0x63: {  	_ =	shalt  }
0x64: {  	_ =	shalt  }
0x65: {  	_ =	shalt  }
0x66: {  	_ =	shalt  }
0x67: {  	_ =	shalt  }
0x68: {  	_ =	shalt  }
0x69: {  	_ =	shalt  }
0x6a: {  	_ =	shalt  }
0x6b: {  	_ =	shalt  }
0x6c: {  	_ =	shalt  }
0x6d: {  	_ =	shalt  }
0x6e: {  	_ =	shalt  }
0x6f: {  	_ =	shalt  }
0x70: {  	_ =	shalt  }
0x71: {  	_ =	shalt  }
0x72: {  	_ =	shalt  }
0x73: {  	_ =	shalt  }
0x74: {  	_ =	shalt  }
0x75: {  	_ =	shalt  }
0x76: {  	_ =	shalt  }
0x77: {  	_ =	shalt  }
0x78: {  	_ =	shalt  }
0x79: {  	_ =	shalt  }
0x7a: {  	_ =	shalt  }
0x7b: {  	_ =	shalt  }
0x7c: {  	_ =	shalt  }
0x7d: {  	_ =	shalt  }
0x7e: {  	_ =	shalt  }
0x7f: {  	_ =	shalt  }
0x80: {  	_ =	shalt  }
0x81: {  	_ =	shalt  }
0x82: {  	_ =	shalt  }
0x83: {  	_ =	shalt  }
0x84: {  	_ =	shalt  }
0x85: {  	_ =	shalt  }
0x86: {  	_ =	shalt  }
0x87: {  	_ =	shalt  }
.Lfunc_end0:
.L_simem_size_0:
called_computation_lowered:
.L_overlay_start_0:
0x88: {  	s2 =	sld [smem:$0x3FD9]  }
0x89: {  	s3 =	sld [smem:$0x3FFE];
	_ =	sdelay $0x1  }
0x8a: {  	s1 =	srdreg.scid  }
0x8b: {  	s0 =	sand.u32 $0x1, s1  }
0x8c: {  	s17 =	sshll.u32 s0, $0xA;
	s2 =	sadd.s32 s3, s2  }
0x8d: {  	s2 =	sadd.s32 s2, s17  }
0x8e: {  	[smem:$0x3FC2] =	sst s2  }
0x8f: {  	_ = 	snop  }
0x90: {  	s2 =	sld [smem:$0x3FD0];
	(tm) =	ssettm $0x1  }
0x91: {  	s18 =	sld [smem:$0x3FFB];
	_ =	sdelay $0x3  }
0x92: {  	_ =	strace s18  }
0x93: {  	s3 =	sld [smem:$0x3FFC];
	_ =	sdelay $0x3  }
0x94: {  	_ =	strace s3  }
0x95: {  	s3 =	sld [smem:$0x3FFD];
	_ =	sdelay $0x3  }
0x96: {  	_ =	strace s3  }
0x97: {  	_ =	strace $0x8FFFFFFF  }
0x98: {  	s19 =	sld [smem:$0x3FDB];
	_ =	sdelay $0x1  }
0x99: {  	s4 =	simm.s32 $_scs_section_size  }
0x9a: {  	s5 =	simm.s32 $_size__tile_overlayer_lowered;
	s6 =	simm.s32 $_tile_overlayer_lowered  }
0x9b: {  	s22 =	simm.s32 $0x1BFF;
	s21 =	sshll.u32 s6, $0x1;
	s3 =	sadd.s32 s4, s19  }
0x9c: {  	s7 =	simm.s32 $0x0;
	s20 =	sshll.u32 s5, $0x1;
	s5 =	sadd.s32 s21, s3  }
0x9d: {  	[timem:s7], [sflag:s22] =	dma.local [hbm:s5], s20  }
0x9e: {  	_ =	swait.ge [sflag:s22], s20  }
0x9f: {  	s4 =	ssub.s32 $0x0, s20;
	[sflag:s22] =	ssyncset.done $0x0  }
0xa0: {  	[sflag:s22] =	ssyncadd.s32 s4;
	_ =	sdelay $0x1  }
0xa1: {  	s23 =	simm.s32 $0x1B8B  }
0xa2: {  	_ =	swait.ge [sflag:s23], $0x1  }
0xa3: {  	[sflag:s23] =	ssyncset.done $0x0  }
0xa4: {  	s25 =	simm.s32 $0x1B8E;
	s24 =	sld [smem:$0x3FFE];
	[sflag:s23] =	ssyncadd.s32 $0xFFFFFFFF  }
0xa5: {  	s26 =	simm.s32 $execute0_lowered;
	[smem:$0x3FD2] =	sst s25  }
0xa6: {  	s5 =	sshll.u32 s26, $0x1;
	_ =	strace $0x80000046;
	[dreg:$0x1] =	wrdreg $0xFFFFFFFF  }
0xa7: {  	s28 =	simm.s32 $_size_execute0_lowered;
	s3 =	sadd.s32 s3, s5;
	[dreg:$0x0] =	wrdreg $0x0  }
0xa8: {  	s5 =	sshll.u32 s28, $0x1;
	[dreg:$0x2] =	wrdreg s3  }
0xa9: {  	[dreg:$0x3] =	wrdreg s5  }
0xaa: {  	[dreg:$0x4] =	wrdreg $0xC0  }
0xab: {  	_ =	task [dreg:s7], $0x5FFFF  }
0xac: {  	[dreg:$0x1] =	wrdreg $0xFFFFFFFF  }
0xad: {  	[dreg:$0x0] =	wrdreg $0x60  }
0xae: {  	[dreg:$0x2] =	wrdreg s24  }
0xaf: {  	[dreg:$0x3] =	wrdreg s2  }
0xb0: {  	[dreg:$0x4] =	wrdreg $0x2B000  }
0xb1: {  	[dreg:$0x5] =	wrdreg $0x9  }
0xb2: {  	_ =	task.clear_ibuf [dreg:s7], $0x6FFFF;
	_ =	strace $0x90000046  }
0xb3: {  	s29 =	simm.s32 $0x9;
	_ =	strace $0x80000048  }
0xb4: {  	_ =	swait.ge [sflag:s29], $0x1  }
0xb5: {  	[sflag:s29] =	ssyncadd.s32 $0xFFFFFFFF  }
0xb6: {  	_ =	strace $0x90000048  }
0xb7: {  	_ =	sfence  }
0xb8: {  	s30 =	sld [smem:$0x0];
	_ =	sdelay $0x2  }
0xb9: {  	s31 =	sshll.u32 s1, $0xD;
	s1 =	sshrl.u32 s1, $0x2  }
0xba: {  	s3 =	sand.u32 $0x4000, s31;
	s1 =	sadd.s32 s1, s30  }
0xbb: {  	s0 =	sor.u32 s3, s0;
	s1 =	sshll.u32 s1, $0x11  }
0xbc: {  	s0 =	sor.u32 s1, s0  }
0xbd: {  	s0 =	sadd.s32 $0x8F2B, s0  }
0xbe: {  	[sflag:s0] =	ssyncadd.remote.s32 $0x1  }
0xbf: {  	_ =	sfence.sel $0xFFFF  }
0xc0: {  	[dreg:$0x0] =	wrdreg $0xFFFFFFFF;
	(pc) =	sbr.abs _section_cstart, $3  }
0xc1: {  	[dreg:$0x1] =	wrdreg $0xFFFFFFFF  }
0xc2: {  	_ =	task.clear_ibuf [dreg:s7], $0x2FFFF;
	_ =	strace $0x9FFFFFFF  }
0xc3: {  	(tm) =	ssettm $0x7FFFFFFF  }
tec
execute0_lowered:
.L_overlay_start_1:
0x0: {  	(tag) =	ssettag $0x1  }
0x1: {  	s1 =	srdreg.scid;
	s4 =	rddreg [dreg:$0x0]  }
0x2: {  	s0 =	stileid.u32;
	s6 =	rddreg [dreg:$0x1]  }
0x3: {  	s2 =	rddreg [dreg:$0x2];
	s3 =	simm.s32 $0x0;
	s11 =	simm.s32 $0x100  }
0x4: {  	s12 =	simm.s32 $0x180;
	s13 =	simm.s32 $0x200;
	s14 =	simm.s32 $0x280  }
0x5: {  	s15 =	simm.s32 $0x300;
	s16 =	simm.s32 $0x380;
	s17 =	simm.s32 $0x400  }
0x6: {  	s18 =	simm.s32 $0x1;
	s19 =	simm.s32 $0x2;
	s20 =	simm.s32 $0x3  }
0x7: {  	s21 =	simm.s32 $0x4;
	s22 =	simm.s32 $0x5;
	s23 =	simm.s32 $0x6  }
0x8: {  	s24 =	simm.s32 $0x7;
	s29 =	simm.s32 $0x0;
	s5 =	sand.u32 $0x1, s1  }
0x9: {  	s26 =	sshll.u32 s0, $0x1;
	s8 =	smul.u32 $0x280, s0;
	[smem:$0x7FF] =	sst s3  }
0xa: {  	s25 =	sshll.u32 s0, $0x6;
	s1 =	sor.u32 s5, s26;
	s9 =	ssub.s32 $0x2, s5  }
0xb: {  	s5 =	smul.u32 $0x2800, s5;
	_ =	strace $0x80000047;
	s25 =	sor.u32 $0x1C09, s25  }
0xc: {  	s26 =	simm.s32 $0x8;
	s7 =	smul.u32 $0x500, s1;
	s10 =	sshrl.u32 s9, $0x1  }
0xd: {  	s9 =	ssub.s32 s9, s10;
	s30 =	sadd.s32 s8, s5;
	s10 =	simm.s32 $0x80  }
0xe: {  	s7 =	sadd.s32 s7, s4;
	s4 =	sadd.s32 s8, s2;
	s31 =	sshrl.u32 s30, $0x3  }
0xf: {  	s8 =	simm.s32 $0x2880;
	s5 =	sadd.s32 $0x2000, s7;
	s6 =	sadd.s32 s6, s31  }
0x10: {  	v0 =	vimm.f32 $1.000000000e+00;
	v1 =	vimm.f32 $0.0e+00;
	s7 =	smax.u32 s9, $0x1;
	s9 =	simm.s32 $0x9;
	s28 =	sshrl.u32 s4, $0x3  }
.LBB2_1:
0x11: {  	[tilespmem:$0x0] =	vst v0  }
0x12: {  	[tilespmem:$0x10] =	vst v0  }
0x13: {  	[tilespmem:$0x20] =	vst v0  }
0x14: {  	[tilespmem:$0x30] =	vst v0  }
0x15: {  	[tilespmem:$0x40] =	vst v0  }
0x16: {  	[tilespmem:$0x50] =	vst v0  }
0x17: {  	[tilespmem:$0x60] =	vst v0  }
0x18: {  	[tilespmem:$0x70] =	vst v0  }
0x19: {  	[tilespmem:$0x2880] =	vst v1  }
0x1a: {  	[tilespmem:$0x2890] =	vst v1  }
0x1b: {  	[tilespmem:$0x28A0] =	vst v1  }
0x1c: {  	[tilespmem:$0x28B0] =	vst v1  }
0x1d: {  	[tilespmem:$0x28C0] =	vst v1  }
0x1e: {  	[tilespmem:$0x28D0] =	vst v1  }
0x1f: {  	[tilespmem:$0x28E0] =	vst v1  }
0x20: {  	[tilespmem:$0x28F0] =	vst v1  }
0x21: {  	[tilespmem:$0x2900] =	vst v1  }
0x22: {  	[tilespmem:$0x2910] =	vst v1  }
0x23: {  	[tilespmem:$0x2920] =	vst v1  }
0x24: {  	[tilespmem:$0x2930] =	vst v1  }
0x25: {  	[tilespmem:$0x2940] =	vst v1  }
0x26: {  	[tilespmem:$0x2950] =	vst v1  }
0x27: {  	[tilespmem:$0x2960] =	vst v1  }
0x28: {  	[tilespmem:$0x2970] =	vst v1  }
0x29: {  	[tilespmem:$0x2980] =	vst v1  }
0x2a: {  	[tilespmem:$0x2990] =	vst v1  }
0x2b: {  	[tilespmem:$0x29A0] =	vst v1  }
0x2c: {  	[tilespmem:$0x29B0] =	vst v1  }
0x2d: {  	[tilespmem:$0x29C0] =	vst v1  }
0x2e: {  	[tilespmem:$0x29D0] =	vst v1  }
0x2f: {  	[tilespmem:$0x29E0] =	vst v1  }
0x30: {  	[tilespmem:$0x29F0] =	vst v1  }
0x31: {  	[tilespmem:$0x2A00] =	vst v1  }
0x32: {  	[tilespmem:$0x2A10] =	vst v1  }
0x33: {  	[tilespmem:$0x2A20] =	vst v1  }
0x34: {  	[tilespmem:$0x2A30] =	vst v1  }
0x35: {  	[tilespmem:$0x2A40] =	vst v1  }
0x36: {  	[tilespmem:$0x2A50] =	vst v1  }
0x37: {  	[tilespmem:$0x2A60] =	vst v1  }
0x38: {  	[tilespmem:$0x2A70] =	vst v1  }
0x39: {  	[tilespmem:$0x2A80] =	vst v1  }
0x3a: {  	[tilespmem:$0x2A90] =	vst v1  }
0x3b: {  	[tilespmem:$0x2AA0] =	vst v1  }
0x3c: {  	[tilespmem:$0x2AB0] =	vst v1  }
0x3d: {  	[tilespmem:$0x2AC0] =	vst v1  }
0x3e: {  	[tilespmem:$0x2AD0] =	vst v1  }
0x3f: {  	[tilespmem:$0x2AE0] =	vst v1  }
0x40: {  	[tilespmem:$0x2AF0] =	vst v1  }
0x41: {  	[spmem:s4] =	stream.linear.scatter [tilespmem:s8], [sflag:$0x9], $0x280, $0x38;
	[tilespmem:$0x2D80] =	vst v63  }
0x42: {  	_ =	swait.ge [sflag:s9], $0x280  }
0x43: {  	[sflag:s9] =	ssyncset.done $0x0  }
0x44: {  	[sflag:s9] =	ssyncadd.s32 $0xFFFFFD80  }
0x45: {  	[tilespmem:s10], [sflag:$0x9] =	stream.linear.gather [hbm4b:s5+s3], $0x2800, $0x38;
	[tilespmem:$0x2D80] =	vst v63  }
0x46: {  	_ =	swait.ge [sflag:s9], $0x2800  }
0x47: {  	[sflag:s9] =	ssyncset.done $0x0  }
0x48: {  	[sflag:s9] =	ssyncadd.s32 $0xFFFFD800  }
0x49: {  	[bflag:$0x0] =	sbarrier.arrive $0xFFFF  }
0x4a: {  	[spmem:s2] =	stream.indirect.scatter.add.f32 [tilespmem:s3], [sflag:$0x1], $0x1, s10, s10, $0xb8;
	[tilespmem:$0x2D80] =	vst v63  }
0x4b: {  	_ = 	snop  }
0x4c: {  	[spmem:s2] =	stream.indirect.scatter.add.f32 [tilespmem:s3], [sflag:$0x2], $0x1, s11, s10, $0xb8;
	[tilespmem:$0x2D80] =	vst v63  }
0x4d: {  	_ = 	snop  }
0x4e: {  	[spmem:s2] =	stream.indirect.scatter.add.f32 [tilespmem:s3], [sflag:$0x3], $0x1, s12, s10, $0xb8;
	[tilespmem:$0x2D80] =	vst v63  }
0x4f: {  	_ = 	snop  }
0x50: {  	[spmem:s2] =	stream.indirect.scatter.add.f32 [tilespmem:s3], [sflag:$0x4], $0x1, s13, s10, $0xb8;
	[tilespmem:$0x2D80] =	vst v63  }
0x51: {  	_ = 	snop  }
0x52: {  	[spmem:s2] =	stream.indirect.scatter.add.f32 [tilespmem:s3], [sflag:$0x5], $0x1, s14, s10, $0xb8;
	[tilespmem:$0x2D80] =	vst v63  }
0x53: {  	_ = 	snop  }
0x54: {  	[spmem:s2] =	stream.indirect.scatter.add.f32 [tilespmem:s3], [sflag:$0x6], $0x1, s15, s10, $0xb8;
	[tilespmem:$0x2D80] =	vst v63  }
0x55: {  	_ = 	snop  }
0x56: {  	[spmem:s2] =	stream.indirect.scatter.add.f32 [tilespmem:s3], [sflag:$0x7], $0x1, s16, s10, $0xb8;
	[tilespmem:$0x2D80] =	vst v63  }
0x57: {  	_ = 	snop  }
0x58: {  	[spmem:s2] =	stream.indirect.scatter.add.f32 [tilespmem:s3], [sflag:$0x8], $0x1, s17, s10, $0xb8;
	[tilespmem:$0x2D80] =	vst v63  }
0x59: {  	_ =	swait.ge [sflag:s18], $0x80  }
0x5a: {  	[sflag:s18] =	ssyncset.done $0x0  }
0x5b: {  	s30 =	simm.s32 $0x480;
	[sflag:s18] =	ssyncadd.s32 $0xFFFFFF80  }
0x5c: {  	[spmem:s2] =	stream.indirect.scatter.add.f32 [tilespmem:s3], [sflag:$0x1], $0x1, s30, s10, $0xb8;
	[tilespmem:$0x2D80] =	vst v63  }
0x5d: {  	_ =	swait.ge [sflag:s19], $0x80  }
0x5e: {  	[sflag:s19] =	ssyncset.done $0x0  }
0x5f: {  	s30 =	simm.s32 $0x500;
	[sflag:s19] =	ssyncadd.s32 $0xFFFFFF80  }
0x60: {  	[spmem:s2] =	stream.indirect.scatter.add.f32 [tilespmem:s3], [sflag:$0x2], $0x1, s30, s10, $0xb8;
	[tilespmem:$0x2D80] =	vst v63  }
0x61: {  	_ =	swait.ge [sflag:s20], $0x80  }
0x62: {  	[sflag:s20] =	ssyncset.done $0x0  }
0x63: {  	s30 =	simm.s32 $0x580;
	[sflag:s20] =	ssyncadd.s32 $0xFFFFFF80  }
0x64: {  	[spmem:s2] =	stream.indirect.scatter.add.f32 [tilespmem:s3], [sflag:$0x3], $0x1, s30, s10, $0xb8;
	[tilespmem:$0x2D80] =	vst v63  }
0x65: {  	_ =	swait.ge [sflag:s21], $0x80  }
0x66: {  	[sflag:s21] =	ssyncset.done $0x0  }
0x67: {  	s30 =	simm.s32 $0x600;
	[sflag:s21] =	ssyncadd.s32 $0xFFFFFF80  }
0x68: {  	[spmem:s2] =	stream.indirect.scatter.add.f32 [tilespmem:s3], [sflag:$0x4], $0x1, s30, s10, $0xb8;
	[tilespmem:$0x2D80] =	vst v63  }
0x69: {  	_ =	swait.ge [sflag:s22], $0x80  }
0x6a: {  	[sflag:s22] =	ssyncset.done $0x0  }
0x6b: {  	s30 =	simm.s32 $0x680;
	[sflag:s22] =	ssyncadd.s32 $0xFFFFFF80  }
0x6c: {  	[spmem:s2] =	stream.indirect.scatter.add.f32 [tilespmem:s3], [sflag:$0x5], $0x1, s30, s10, $0xb8;
	[tilespmem:$0x2D80] =	vst v63  }
0x6d: {  	_ =	swait.ge [sflag:s23], $0x80  }
0x6e: {  	[sflag:s23] =	ssyncset.done $0x0  }
0x6f: {  	s30 =	simm.s32 $0x700;
	[sflag:s23] =	ssyncadd.s32 $0xFFFFFF80  }
0x70: {  	[spmem:s2] =	stream.indirect.scatter.add.f32 [tilespmem:s3], [sflag:$0x6], $0x1, s30, s10, $0xb8;
	[tilespmem:$0x2D80] =	vst v63  }
0x71: {  	_ =	swait.ge [sflag:s24], $0x80  }
0x72: {  	[sflag:s24] =	ssyncset.done $0x0  }
0x73: {  	s30 =	simm.s32 $0x780;
	[sflag:s24] =	ssyncadd.s32 $0xFFFFFF80  }
0x74: {  	[spmem:s2] =	stream.indirect.scatter.add.f32 [tilespmem:s3], [sflag:$0x7], $0x1, s30, s10, $0xb8;
	[tilespmem:$0x2D80] =	vst v63  }
0x75: {  	_ =	swait.ge [sflag:s26], $0x80  }
0x76: {  	[sflag:s26] =	ssyncset.done $0x0  }
0x77: {  	s31 =	simm.s32 $0x800;
	s30 =	simm.s32 $0x1000;
	[sflag:s26] =	ssyncadd.s32 $0xFFFFFF80  }
.LBB2_2:
0x78: {  	[spmem:s2] =	stream.indirect.scatter.add.f32 [tilespmem:s3], [sflag:$0x8], $0x1, s31, s10, $0xb8;
	[tilespmem:$0x2D80] =	vst v63  }
0x79: {  	s31 =	smov.u32 s30  }
0x7a: {  	p0 =	sne.s32 s30, $0x8000;
	s30 =	sadd.s32 $0x1000, s30;
	_ =	swait.ge [sflag:s18], $0x80  }
0x7b: {  	s31 =	sshra.s32 s31, $0x2;
	[sflag:s18] =	ssyncset.done $0x0  }
0x7c: {  	s1 =	sadd.s32 $0x480, s31;
	[sflag:s18] =	ssyncadd.s32 $0xFFFFFF80  }
0x7d: {  	[spmem:s2] =	stream.indirect.scatter.add.f32 [tilespmem:s3], [sflag:$0x1], $0x1, s1, s10, $0xb8;
	[tilespmem:$0x2D80] =	vst v63  }
0x7e: {  	_ =	swait.ge [sflag:s19], $0x80  }
0x7f: {  	[sflag:s19] =	ssyncset.done $0x0  }
0x80: {  	s1 =	sadd.s32 $0x500, s31;
	[sflag:s19] =	ssyncadd.s32 $0xFFFFFF80  }
0x81: {  	[spmem:s2] =	stream.indirect.scatter.add.f32 [tilespmem:s3], [sflag:$0x2], $0x1, s1, s10, $0xb8;
	[tilespmem:$0x2D80] =	vst v63  }
0x82: {  	_ =	swait.ge [sflag:s20], $0x80  }
0x83: {  	[sflag:s20] =	ssyncset.done $0x0  }
0x84: {  	s1 =	sadd.s32 $0x580, s31;
	[sflag:s20] =	ssyncadd.s32 $0xFFFFFF80  }
0x85: {  	[spmem:s2] =	stream.indirect.scatter.add.f32 [tilespmem:s3], [sflag:$0x3], $0x1, s1, s10, $0xb8;
	[tilespmem:$0x2D80] =	vst v63  }
0x86: {  	_ =	swait.ge [sflag:s21], $0x80  }
0x87: {  	[sflag:s21] =	ssyncset.done $0x0  }
0x88: {  	s1 =	sadd.s32 $0x600, s31;
	[sflag:s21] =	ssyncadd.s32 $0xFFFFFF80  }
0x89: {  	[spmem:s2] =	stream.indirect.scatter.add.f32 [tilespmem:s3], [sflag:$0x4], $0x1, s1, s10, $0xb8;
	[tilespmem:$0x2D80] =	vst v63  }
0x8a: {  	_ =	swait.ge [sflag:s22], $0x80  }
0x8b: {  	[sflag:s22] =	ssyncset.done $0x0  }
0x8c: {  	s1 =	sadd.s32 $0x680, s31;
	[sflag:s22] =	ssyncadd.s32 $0xFFFFFF80  }
0x8d: {  	[spmem:s2] =	stream.indirect.scatter.add.f32 [tilespmem:s3], [sflag:$0x5], $0x1, s1, s10, $0xb8;
	[tilespmem:$0x2D80] =	vst v63  }
0x8e: {  	_ =	swait.ge [sflag:s23], $0x80  }
0x8f: {  	[sflag:s23] =	ssyncset.done $0x0  }
0x90: {  	s1 =	sadd.s32 $0x700, s31;
	[sflag:s23] =	ssyncadd.s32 $0xFFFFFF80  }
0x91: {  	[spmem:s2] =	stream.indirect.scatter.add.f32 [tilespmem:s3], [sflag:$0x6], $0x1, s1, s10, $0xb8;
	[tilespmem:$0x2D80] =	vst v63  }
0x92: {  	_ =	swait.ge [sflag:s24], $0x80  }
0x93: {  	[sflag:s24] =	ssyncset.done $0x0  }
.Ltmp0:
0x94: {  	s1 =	sadd.s32 $0x780, s31;
	[sflag:s24] =	ssyncadd.s32 $0xFFFFFF80;
	(pc) =	sbr.rel @p0 .LBB2_2-.Ltmp0, $4  }
0x95: {  	[spmem:s2] =	stream.indirect.scatter.add.f32 [tilespmem:s3], [sflag:$0x7], $0x1, s1, s10, $0xb8;
	[tilespmem:$0x2D80] =	vst v63  }
0x96: {  	_ =	swait.ge [sflag:s26], $0x80  }
0x97: {  	[sflag:s26] =	ssyncset.done $0x0  }
0x98: {  	s31 =	sadd.s32 $0x800, s31;
	[sflag:s26] =	ssyncadd.s32 $0xFFFFFF80  }
0x99: {  	[spmem:s2] =	stream.indirect.scatter.add.f32 [tilespmem:s3], [sflag:$0x8], $0x1, s31, s10, $0xb8;
	[tilespmem:$0x2D80] =	vst v63  }
0x9a: {  	_ =	swait.ge [sflag:s18], $0x80  }
0x9b: {  	[sflag:s18] =	ssyncset.done $0x0  }
0x9c: {  	[sflag:s18] =	ssyncadd.s32 $0xFFFFFF80  }
0x9d: {  	_ =	swait.ge [sflag:s19], $0x80  }
0x9e: {  	[sflag:s19] =	ssyncset.done $0x0  }
0x9f: {  	[sflag:s19] =	ssyncadd.s32 $0xFFFFFF80  }
0xa0: {  	_ =	swait.ge [sflag:s20], $0x80  }
0xa1: {  	[sflag:s20] =	ssyncset.done $0x0  }
0xa2: {  	[sflag:s20] =	ssyncadd.s32 $0xFFFFFF80  }
0xa3: {  	_ =	swait.ge [sflag:s21], $0x80  }
0xa4: {  	[sflag:s21] =	ssyncset.done $0x0  }
0xa5: {  	[sflag:s21] =	ssyncadd.s32 $0xFFFFFF80  }
0xa6: {  	_ =	swait.ge [sflag:s22], $0x80  }
0xa7: {  	[sflag:s22] =	ssyncset.done $0x0  }
0xa8: {  	[sflag:s22] =	ssyncadd.s32 $0xFFFFFF80  }
0xa9: {  	_ =	swait.ge [sflag:s23], $0x80  }
0xaa: {  	[sflag:s23] =	ssyncset.done $0x0  }
0xab: {  	[sflag:s23] =	ssyncadd.s32 $0xFFFFFF80  }
0xac: {  	_ =	swait.ge [sflag:s24], $0x80  }
0xad: {  	[sflag:s24] =	ssyncset.done $0x0  }
0xae: {  	[sflag:s24] =	ssyncadd.s32 $0xFFFFFF80  }
0xaf: {  	_ =	swait.ge [sflag:s26], $0x80  }
0xb0: {  	s29 =	sadd.s32 $0x1, s29;
	[sflag:s26] =	ssyncset.done $0x0  }
0xb1: {  	p0 =	sne.s32 s29, s7;
	[sflag:s26] =	ssyncadd.s32 $0xFFFFFF80  }
.Ltmp1:
0xb2: {  	[bflag:$0x0] =	sbarrier.arrive $0xFFFF;
	(pc) =	sbr.rel @p0 .LBB2_1-.Ltmp1, $4  }
0xb3: {  	[hbm:s6], [sflag:s25] =	dma.local [spmem:s28], $0x50  }
0xb4: {  	_ =	swait.ge [sflag:s9], $0x50  }
0xb5: {  	[sflag:s9] =	ssyncset.done $0x0  }
0xb6: {  	[sflag:s9] =	ssyncadd.s32 $0xFFFFFFB0  }
0xb7: {  	_ =	sfence.sel $0x180000  }
0xb8: {  	[bflag:$0x0] =	sbarrier.arrive $0xFFFF  }
0xb9: {  	_ =	strace $0x90000047  }
0xba: {  	[bflag:$0x2] =	sbarrier.arrive $0xFFFF  }
0xbb: {  	p0 =	sne.s32 s0, $0x0;
	s0 =	rddreg [dreg:$0x3]  }
0xbc: {  	s0 =	sadd.s32 @!p0 $0x100000, s0  }
0xbd: {  	[sflag:s0] =	ssyncadd.tile.s32 @!p0 $0x1;
	_ =	shalt  }
.Lfunc_end2:
_tile_overlayer_lowered:
.L_overlay_start_2:
0xbe: {  	(tag) =	ssettag $0x2  }
0xbf: {  	s0 =	rddreg [dreg:$0x0];
	s2 =	stileid.u32  }
0xc0: {  	s1 =	rddreg [dreg:$0x1];
	p0 =	sne.s32 s2, $0x0  }
0xc1: {  	s3 =	rddreg [dreg:$0x2];
	[bflag:$0x3] =	sbarrier.arrive $0xFFFF;
	s2 =	simm.s32 @!p0 $0x1C09  }
0xc2: {  	[timem:s3], [sflag:s2] =	dma.local @!p0 [hbm:s0], s1  }
0xc3: {  	s0 =	simm.s32 @!p0 $0x9  }
0xc4: {  	_ =	swait.ge @!p0 [sflag:s0], s1  }
0xc5: {  	s1 =	ssub.s32 @!p0 $0x0, s1;
	[sflag:s0] =	ssyncset.done @!p0 $0x0  }
0xc6: {  	[sflag:s0] =	ssyncadd.s32 @!p0 s1  }
0xc7: {  	[bflag:$0x3] =	sbarrier.arrive $0xFFFF  }
0xc8: {  	_ =	shalt  }

// kernel: kernel.9.cloned.1.call-start
scs
__scs_entry_jumppad:
0x0: {  	(pc) =	sbr.rel $0x88, $3  }
0x1: {  	(tag) =	ssettag $0x0;
	lr =	simm.s32 $0x1  }
0x2: {  	[smem:$0x3F9B] =	sst lr;
	_ =	strace $0xD0000000  }
0x3: {  	_ = 	snop  }
0x4: {  	_ = 	snop  }
0x5: {  	_ = 	snop  }
0x6: {  	_ = 	snop  }
0x7: {  	_ = 	snop  }
__scs_overlays_trampoline_lowered:
0x8: {  	[smem:$0x3FAA] =	sst s0  }
0x9: {  	[smem:$0x3FAB] =	sst s1  }
0xa: {  	[smem:$0x3FAC] =	sst s2  }
0xb: {  	[smem:$0x3FAD] =	sst s3  }
0xc: {  	[smem:$0x3FAE] =	sst s4  }
0xd: {  	[smem:$0x3FAF] =	sst s5  }
0xe: {  	[smem:$0x3FB0] =	sst s6  }
0xf: {  	[smem:$0x3FB1] =	sst s7  }
0x10: {  	[smem:$0x3FB2] =	sst s8  }
0x11: {  	[smem:$0x3FB3] =	sst s9;
	s0 =	simm.s32 @!p0 $0x0  }
0x12: {  	s1 =	sld [smem:$0x3F99];
	s0 =	simm.s32 @p0 $0x1  }
0x13: {  	[smem:$0x3FB4] =	sst s0;
	s0 =	simm.s32 @!p1 $0x0  }
0x14: {  	s2 =	sld [smem:$0x3F98];
	s0 =	simm.s32 @p1 $0x1  }
0x15: {  	[smem:$0x3FB5] =	sst s0;
	s0 =	simm.s32 @!p2 $0x0  }
0x16: {  	s3 =	sld [smem:$0x3FDB];
	s0 =	simm.s32 @p2 $0x1  }
0x17: {  	s4 =	simm.s32 $0x1BF5;
	[smem:$0x3FB7] =	sst s0  }
0x18: {  	s0 =	sld [smem:$0x3F9A];
	_ =	swait.ge [sflag:s4], $0x0  }
0x19: {  	s7 =	sld [smem:$0x3F9B]  }
0x1a: {  	s8 =	sadd.s32 $0xFFFFE003, lr  }
0x1b: {  	s9 =	sadd.s32 $0xFFFFFEF7, lr;
	s5 =	simm.s32 $0xFFFFFFFF;
	p2 =	slt.u32 s8, $0xFFFFF086  }
0x1c: {  	p1 =	slt.u32 s9, $0xF7A;
	s5 =	simm.s32 @!p2 $0x0  }
0x1d: {  	s5 =	simm.s32 @p1 $0x1;
	p0 =	seq.s32 s7, s2  }
0x1e: {  	s7 =	smul.u32 @!p0 $0xF7A, s2;
	p2 =	seq.s32 @!p0 s5, $0x0  }
0x1f: {  	s9 =	smul.u32 $0xF7A, s1;
	s8 =	simm.s32 @!p0 $0x1BF5;
	p2 =	por !p2, p0  }
0x20: {  	[sflag:s8] =	ssyncset.s32 @!p0 $0xFFFFF086;
	s6 =	sadd.s32 @!p0 s3, s7;
	s7 =	simm.s32 @!p0 $0x108  }
0x21: {  	s3 =	sadd.s32 s3, s9;
	s6 =	sadd.s32 @!p0 $0x88, s6;
	s7 =	simm.s32 @p2 $0x1082  }
0x22: {  	[simem:s7], [sflag:s8] =	dma.local @!p0 [hbm:s6], $0xF7A  }
0x23: {  	s9 =	sor.u32 $0xD0000000, s2;
	s6 =	simm.s32 $0x108;
	_ =	swait.ge @!p0 [sflag:s8], $0x0  }
0x24: {  	s3 =	sadd.s32 $0x88, s3;
	s6 =	simm.s32 @!p1 $0x1082;
	[sflag:s4] =	ssyncset.s32 $0xFFFFF086  }
0x25: {  	[simem:s6], [sflag:s4] =	dma.local [hbm:s3], $0xF7A  }
0x26: {  	[smem:$0x3F9B] =	sst s1;
	(tag) =	ssettag s2;
	_ =	strace s9  }
0x27: {  	s1 =	sld [smem:$0x3FAB]  }
0x28: {  	s2 =	sld [smem:$0x3FAC]  }
0x29: {  	s4 =	sld [smem:$0x3FAE]  }
0x2a: {  	p0 =	seq.s32 s5, $0x0;
	s5 =	sld [smem:$0x3FAF]  }
0x2b: {  	s6 =	sld [smem:$0x3FB0]  }
0x2c: {  	s7 =	sld [smem:$0x3FB1]  }
0x2d: {  	s3 =	simm.s32 $0x108;
	s8 =	sld [smem:$0x3FB2]  }
0x2e: {  	s3 =	simm.s32 @!p0 $0x1082;
	s9 =	sld [smem:$0x3FB3]  }
0x2f: {  	lr =	sadd.s32 s0, s3;
	s0 =	sld [smem:$0x3FAA]  }
0x30: {  	s3 =	sld [smem:$0x3FAD]  }
0x31: {  	[smem:$0x3FB6] =	sst s10  }
0x32: {  	s10 =	sld [smem:$0x3FB4];
	_ =	sdelay $0x3  }
0x33: {  	p0 =	seq.s32 s10, $0x1;
	s10 =	sld [smem:$0x3FB6];
	_ =	sdelay $0x3  }
0x34: {  	[smem:$0x3FB6] =	sst s10  }
0x35: {  	s10 =	sld [smem:$0x3FB5];
	_ =	sdelay $0x3  }
0x36: {  	p1 =	seq.s32 s10, $0x1;
	s10 =	sld [smem:$0x3FB6];
	_ =	sdelay $0x3  }
0x37: {  	[smem:$0x3FB6] =	sst s10  }
0x38: {  	s10 =	sld [smem:$0x3FB7]  }
0x39: {  	_ = 	snop;
	(pc) =	sbr.ind lr, $3  }
0x3a: {  	_ = 	snop  }
0x3b: {  	_ = 	snop  }
0x3c: {  	p2 =	seq.s32 s10, $0x1;
	s10 =	sld [smem:$0x3FB6]  }
0x3d: {  	_ =	shalt  }
0x3e: {  	_ =	shalt  }
0x3f: {  	_ =	shalt  }
0x40: {  	_ =	shalt  }
0x41: {  	_ =	shalt  }
0x42: {  	_ =	shalt  }
0x43: {  	_ =	shalt  }
0x44: {  	_ =	shalt  }
0x45: {  	_ =	shalt  }
0x46: {  	_ =	shalt  }
0x47: {  	_ =	shalt  }
0x48: {  	_ =	shalt  }
0x49: {  	_ =	shalt  }
0x4a: {  	_ =	shalt  }
0x4b: {  	_ =	shalt  }
0x4c: {  	_ =	shalt  }
0x4d: {  	_ =	shalt  }
0x4e: {  	_ =	shalt  }
0x4f: {  	_ =	shalt  }
0x50: {  	_ =	shalt  }
0x51: {  	_ =	shalt  }
0x52: {  	_ =	shalt  }
0x53: {  	_ =	shalt  }
0x54: {  	_ =	shalt  }
0x55: {  	_ =	shalt  }
0x56: {  	_ =	shalt  }
0x57: {  	_ =	shalt  }
0x58: {  	_ =	shalt  }
0x59: {  	_ =	shalt  }
0x5a: {  	_ =	shalt  }
0x5b: {  	_ =	shalt  }
0x5c: {  	_ =	shalt  }
0x5d: {  	_ =	shalt  }
0x5e: {  	_ =	shalt  }
0x5f: {  	_ =	shalt  }
0x60: {  	_ =	shalt  }
0x61: {  	_ =	shalt  }
0x62: {  	_ =	shalt  }
0x63: {  	_ =	shalt  }
0x64: {  	_ =	shalt  }
0x65: {  	_ =	shalt  }
0x66: {  	_ =	shalt  }
0x67: {  	_ =	shalt  }
0x68: {  	_ =	shalt  }
0x69: {  	_ =	shalt  }
0x6a: {  	_ =	shalt  }
0x6b: {  	_ =	shalt  }
0x6c: {  	_ =	shalt  }
0x6d: {  	_ =	shalt  }
0x6e: {  	_ =	shalt  }
0x6f: {  	_ =	shalt  }
0x70: {  	_ =	shalt  }
0x71: {  	_ =	shalt  }
0x72: {  	_ =	shalt  }
0x73: {  	_ =	shalt  }
0x74: {  	_ =	shalt  }
0x75: {  	_ =	shalt  }
0x76: {  	_ =	shalt  }
0x77: {  	_ =	shalt  }
0x78: {  	_ =	shalt  }
0x79: {  	_ =	shalt  }
0x7a: {  	_ =	shalt  }
0x7b: {  	_ =	shalt  }
0x7c: {  	_ =	shalt  }
0x7d: {  	_ =	shalt  }
0x7e: {  	_ =	shalt  }
0x7f: {  	_ =	shalt  }
0x80: {  	_ =	shalt  }
0x81: {  	_ =	shalt  }
0x82: {  	_ =	shalt  }
0x83: {  	_ =	shalt  }
0x84: {  	_ =	shalt  }
0x85: {  	_ =	shalt  }
0x86: {  	_ =	shalt  }
0x87: {  	_ =	shalt  }
.Lfunc_end0:
.L_simem_size_0:
called_computation.1_lowered:
.L_overlay_start_0:
0x88: {  	s2 =	sld [smem:$0x3FD9]  }
0x89: {  	s3 =	sld [smem:$0x3FFE];
	_ =	sdelay $0x1  }
0x8a: {  	s1 =	srdreg.scid  }
0x8b: {  	s0 =	sand.u32 $0x1, s1  }
0x8c: {  	s16 =	sshll.u32 s0, $0xA;
	s2 =	sadd.s32 s3, s2  }
0x8d: {  	s2 =	sadd.s32 s2, s16  }
0x8e: {  	[smem:$0x3FC2] =	sst s2  }
0x8f: {  	_ = 	snop  }
0x90: {  	(tm) =	ssettm $0x1  }
0x91: {  	s17 =	sld [smem:$0x3FFB];
	_ =	sdelay $0x3  }
0x92: {  	_ =	strace s17  }
0x93: {  	s2 =	sld [smem:$0x3FFC];
	_ =	sdelay $0x3  }
0x94: {  	_ =	strace s2  }
0x95: {  	s2 =	sld [smem:$0x3FFD];
	_ =	sdelay $0x3  }
0x96: {  	_ =	strace s2  }
0x97: {  	_ =	strace $0x8FFFFFFF  }
0x98: {  	s18 =	sld [smem:$0x3FDB];
	_ =	sdelay $0x1  }
0x99: {  	s19 =	simm.s32 $_scs_section_size  }
0x9a: {  	s4 =	simm.s32 $_size__tile_overlayer_lowered;
	s5 =	simm.s32 $_tile_overlayer_lowered  }
0x9b: {  	s22 =	simm.s32 $0x1BFF;
	s21 =	sshll.u32 s5, $0x1;
	s2 =	sadd.s32 s19, s18  }
0x9c: {  	s6 =	simm.s32 $0x0;
	s20 =	sshll.u32 s4, $0x1;
	s4 =	sadd.s32 s21, s2  }
0x9d: {  	[timem:s6], [sflag:s22] =	dma.local [hbm:s4], s20  }
0x9e: {  	_ =	swait.ge [sflag:s22], s20  }
0x9f: {  	s3 =	ssub.s32 $0x0, s20;
	[sflag:s22] =	ssyncset.done $0x0  }
0xa0: {  	[sflag:s22] =	ssyncadd.s32 s3;
	_ =	sdelay $0x1  }
0xa1: {  	s23 =	simm.s32 $0x1B8B  }
0xa2: {  	_ =	swait.ge [sflag:s23], $0x1  }
0xa3: {  	[sflag:s23] =	ssyncset.done $0x0  }
0xa4: {  	s25 =	simm.s32 $0x1B8E;
	s24 =	sld [smem:$0x3FFE];
	[sflag:s23] =	ssyncadd.s32 $0xFFFFFFFF  }
0xa5: {  	s26 =	simm.s32 $execute0_lowered;
	[smem:$0x3FD2] =	sst s25  }
0xa6: {  	s4 =	sshll.u32 s26, $0x1;
	_ =	strace $0x80000049;
	[dreg:$0x1] =	wrdreg $0xFFFFFFFF  }
0xa7: {  	s28 =	simm.s32 $_size_execute0_lowered;
	s2 =	sadd.s32 s2, s4;
	[dreg:$0x0] =	wrdreg $0x0  }
0xa8: {  	s4 =	sshll.u32 s28, $0x1;
	[dreg:$0x2] =	wrdreg s2  }
0xa9: {  	[dreg:$0x3] =	wrdreg s4  }
0xaa: {  	[dreg:$0x4] =	wrdreg $0xC0  }
0xab: {  	_ =	task [dreg:s6], $0x5FFFF  }
0xac: {  	[dreg:$0x1] =	wrdreg $0xFFFFFFFF  }
0xad: {  	[dreg:$0x0] =	wrdreg $0x60  }
0xae: {  	[dreg:$0x2] =	wrdreg s24  }
0xaf: {  	[dreg:$0x3] =	wrdreg $0x86000  }
0xb0: {  	[dreg:$0x4] =	wrdreg $0x9  }
0xb1: {  	_ =	task.clear_ibuf [dreg:s6], $0x5FFFF;
	_ =	strace $0x90000049  }
0xb2: {  	s29 =	simm.s32 $0x9;
	_ =	strace $0x8000004B  }
0xb3: {  	_ =	swait.ge [sflag:s29], $0x1  }
0xb4: {  	[sflag:s29] =	ssyncadd.s32 $0xFFFFFFFF  }
0xb5: {  	_ =	strace $0x9000004B  }
0xb6: {  	_ =	sfence  }
0xb7: {  	s30 =	sld [smem:$0x0];
	_ =	sdelay $0x2  }
0xb8: {  	s31 =	sshll.u32 s1, $0xD;
	s1 =	sshrl.u32 s1, $0x2  }
0xb9: {  	s3 =	sand.u32 $0x4000, s31;
	s1 =	sadd.s32 s1, s30  }
0xba: {  	s0 =	sor.u32 s3, s0;
	s1 =	sshll.u32 s1, $0x11  }
0xbb: {  	s0 =	sor.u32 s1, s0  }
0xbc: {  	s0 =	sadd.s32 $0x8F2B, s0  }
0xbd: {  	[sflag:s0] =	ssyncadd.remote.s32 $0x1  }
0xbe: {  	_ =	sfence.sel $0xFFFF  }
0xbf: {  	[dreg:$0x0] =	wrdreg $0xFFFFFFFF;
	(pc) =	sbr.abs _section_cstart, $3  }
0xc0: {  	[dreg:$0x1] =	wrdreg $0xFFFFFFFF  }
0xc1: {  	_ =	task.clear_ibuf [dreg:s6], $0x2FFFF;
	_ =	strace $0x9FFFFFFF  }
0xc2: {  	(tm) =	ssettm $0x7FFFFFFF  }
0xc3: {  	_ =	shalt  }
tec
execute0_lowered:
.L_overlay_start_1:
0x0: {  	(tag) =	ssettag $0x1  }
0x1: {  	s0 =	rddreg [dreg:$0x0]  }
0x2: {  	s2 =	rddreg [dreg:$0x1]  }
0x3: {  	s1 =	srdreg.scid;
	s3 =	simm.s32 $0x0;
	s15 =	stileid.u32  }
0x4: {  	s14 =	simm.s32 $0x8300;
	s28 =	simm.s32 $0x7;
	s29 =	simm.s32 $0x8  }
0x5: {  	s30 =	simm.s32 $0x0;
	s1 =	sand.u32 $0x1, s1;
	s5 =	smul.u32 $0x280, s15  }
0x6: {  	[smem:$0x7FF] =	sst s3;
	s7 =	smul.u32 $0x2800, s15;
	s8 =	sadd.s32 $0x48000, s0  }
0x7: {  	s16 =	smul.u32 $0x1400, s15;
	s4 =	ssub.s32 $0x2, s1;
	_ =	strace $0x8000004A  }
0x8: {  	[dreg:$0x3] =	wrdreg s14;
	s14 =	simm.s32 $0x8400;
	p0 =	sne.s32 s1, $0x0  }
0x9: {  	s6 =	sshrl.u32 s4, $0x1;
	s7 =	sadd.s32 s8, s7;
	s9 =	sadd.s32 $0x80, s5  }
0xa: {  	s10 =	sadd.s32 $0xC0, s5;
	s11 =	sadd.s32 $0x100, s5;
	s12 =	sadd.s32 $0x140, s5  }
0xb: {  	s13 =	sadd.s32 $0x180, s5;
	s17 =	sadd.s32 $0x1C0, s5;
	s18 =	sadd.s32 $0x200, s5  }
0xc: {  	[dreg:$0x4] =	wrdreg s14;
	s14 =	sadd.s32 $0x20000, s0;
	s4 =	ssub.s32 s4, s6  }
0xd: {  	s6 =	sor.u32 $0x40, s5;
	[dreg:$0x8] =	wrdreg s7;
	s20 =	sshll.u32 s9, $0x4  }
0xe: {  	s21 =	sshll.u32 s10, $0x4;
	s22 =	sshll.u32 s11, $0x4;
	s23 =	sshll.u32 s12, $0x4  }
0xf: {  	s24 =	sshll.u32 s13, $0x4;
	s25 =	sshll.u32 s17, $0x4;
	s19 =	sshll.u32 s6, $0x4  }
0x10: {  	s26 =	sshll.u32 s18, $0x4;
	s5 =	sadd.s32 $0x240, s5;
	s7 =	sadd.s32 s8, s19  }
0x11: {  	s31 =	sshll.u32 s5, $0x4;
	s19 =	simm.s32 $0x8500;
	[dreg:$0x9] =	wrdreg s7  }
0x12: {  	s5 =	sshll.u32 s5, $0x7;
	s7 =	sadd.s32 s8, s20;
	[dreg:$0x5] =	wrdreg s19  }
0x13: {  	s20 =	smul.u32 $0x50000, s15;
	[dreg:$0xa] =	wrdreg s7;
	s7 =	sadd.s32 s8, s21  }
0x14: {  	s19 =	sshll.u32 s6, $0x7;
	s21 =	simm.s32 $0x8580;
	[dreg:$0xb] =	wrdreg s7  }
0x15: {  	s7 =	sadd.s32 s8, s22;
	[dreg:$0x7] =	wrdreg s21;
	s22 =	simm.s32 $0x6000  }
0x16: {  	s21 =	sshll.u32 s10, $0x7;
	[dreg:$0xc] =	wrdreg s7;
	s7 =	sadd.s32 s8, s23  }
0x17: {  	[dreg:$0x6] =	wrdreg s22;
	s23 =	sadd.s32 s16, s0;
	s22 =	smax.u32 s4, $0x1  }
0x18: {  	s0 =	sadd.s32 s19, s2;
	[dreg:$0xd] =	wrdreg s7;
	s7 =	sadd.s32 s8, s24  }
0x19: {  	s4 =	sadd.s32 s21, s2;
	s0 =	sshrl.u32 s0, $0x3;
	[dreg:$0xe] =	wrdreg s7  }
0x1a: {  	s5 =	sadd.s32 s5, s2;
	s4 =	sshrl.u32 s4, $0x3;
	[dreg:$0x17] =	wrdreg s0  }
0x1b: {  	s24 =	sshrl.u32 s20, $0x2;
	s7 =	sadd.s32 s8, s25;
	[dreg:$0x19] =	wrdreg s4  }
0x1c: {  	s16 =	sadd.s32 $0xC000, s23;
	s25 =	sadd.s32 $0xC010, s23;
	[dreg:$0xf] =	wrdreg s7  }
0x1d: {  	s20 =	sshll.u32 s9, $0x7;
	s7 =	sadd.s32 s8, s26;
	[dreg:$0x12] =	wrdreg s25  }
0x1e: {  	s1 =	sadd.s32 s20, s2;
	s26 =	sadd.s32 $0xC020, s23;
	[dreg:$0x10] =	wrdreg s7  }
0x1f: {  	s15 =	sadd.s32 s24, s2;
	s1 =	sshrl.u32 s1, $0x3;
	[dreg:$0x13] =	wrdreg s26  }
0x20: {  	s24 =	sshll.u32 s12, $0x7;
	s19 =	sadd.s32 $0x2000, s15;
	[dreg:$0x18] =	wrdreg s1  }
0x21: {  	s25 =	sshll.u32 s13, $0x7;
	s20 =	sadd.s32 $0x4000, s15;
	[smem:$0x7F6] =	sst s19  }
0x22: {  	s21 =	sadd.s32 $0x6000, s15;
	s7 =	sadd.s32 s8, s31;
	[smem:$0x7F7] =	sst s20  }
0x23: {  	s31 =	sadd.s32 $0xC030, s23;
	s8 =	sadd.s32 $0xC050, s23;
	[smem:$0x7F8] =	sst s21  }
0x24: {  	s26 =	sshll.u32 s17, $0x7;
	s19 =	simm.s32 $0x40;
	[dreg:$0x11] =	wrdreg s7  }
0x25: {  	s20 =	simm.s32 $0xA;
	s21 =	simm.s32 $0xB;
	[dreg:$0x14] =	wrdreg s31  }
0x26: {  	s7 =	sadd.s32 $0xC040, s23;
	[dreg:$0x16] =	wrdreg s8;
	s23 =	sshll.u32 s11, $0x7  }
0x27: {  	s8 =	sadd.s32 s25, s2;
	s31 =	sshll.u32 s18, $0x7;
	s9 =	sadd.s32 s26, s2  }
0x28: {  	s18 =	sshrl.u32 s5, $0x3;
	s25 =	sadd.s32 $0xC000, s15;
	[dreg:$0x15] =	wrdreg s7  }
0x29: {  	s26 =	sadd.s32 $0xE000, s15;
	s6 =	sadd.s32 s23, s2;
	[dreg:$0x1f] =	wrdreg s18  }
0x2a: {  	s7 =	sadd.s32 s24, s2;
	s10 =	sadd.s32 s31, s2;
	[smem:$0x7FB] =	sst s25  }
0x2b: {  	s12 =	sshrl.u32 s8, $0x3;
	s13 =	sshrl.u32 s9, $0x3;
	[smem:$0x7FC] =	sst s26  }
0x2c: {  	s23 =	sadd.s32 $0x8000, s15;
	s24 =	sadd.s32 $0xA000, s15;
	[dreg:$0x1c] =	wrdreg s12  }
0x2d: {  	s31 =	sadd.s32 $0x10000, s15;
	s18 =	simm.s32 $0x9;
	[dreg:$0x1d] =	wrdreg s13  }
0x2e: {  	s25 =	simm.s32 $0x5;
	s26 =	simm.s32 $0x6;
	[smem:$0x7F9] =	sst s23  }
.Ltmp0:
0x2f: {  	s6 =	sshrl.u32 s6, $0x3;
	[smem:$0x7FA] =	sst s24;
	(pc) =	sbr.rel .LBB2_1-.Ltmp0, $4  }
0x30: {  	s11 =	sshrl.u32 s7, $0x3;
	s17 =	sshrl.u32 s10, $0x3;
	[smem:$0x7FD] =	sst s31  }
0x31: {  	s12 =	simm.s32 $0x4000;
	s13 =	simm.s32 $0xC;
	[dreg:$0x1a] =	wrdreg s6  }
0x32: {  	s23 =	simm.s32 $0x3;
	s24 =	simm.s32 $0x4;
	[dreg:$0x1b] =	wrdreg s11  }
0x33: {  	v0 =	vimm.f32 $0.0e+00;
	[dreg:$0x1e] =	wrdreg s17;
	s11 =	sadd.s32 $0x12000, s15;
	s17 =	simm.s32 $0x1  }
.LBB2_9:
0x34: {  	[bflag:$0x0] =	sbarrier.arrive $0xFFFF  }
0x35: {  	[bflag:$0x0] =	sbarrier.arrive $0xFFFF  }
.LBB2_7:
0x36: {  	s30 =	sadd.s32 $0x1, s30  }
0x37: {  	p1 =	sne.s32 s30, s22  }
.Ltmp1:
0x38: {  	_ = 	snop;
	(pc) =	sbr.rel @!p1 .LBB2_8-.Ltmp1, $1  }
0x39: {  	_ =	sdelay $0x3  }
.LBB2_1:
.Ltmp2:
0x3a: {  	(pc) =	sbr.rel @p0 .LBB2_9-.Ltmp2, $1  }
0x3b: {  	_ =	sdelay $0x3  }
0x3c: {  	s0 =	sand.u32 $0x7E00, s3  }
0x3d: {  	s1 =	sand.u32 $0x70, s3;
	s4 =	sshrl.u32 s0, $0x2  }
0x3e: {  	s0 =	simm.s32 $0x40;
	s4 =	sor.u32 s1, s4;
	s1 =	simm.s32 $0x0  }
.LBB2_3:
0x3f: {  	p1 =	sne.s32 s0, $0x7FC0  }
0x40: {  	[tilespmem:s4+$0x0] =	vst v0;
	s1 =	sadd.s32 $0x10, s1;
	s4 =	smov.u32 s0;
	s0 =	sadd.s32 $0x40, s0  }
.Ltmp3:
0x41: {  	(pc) =	sbr.rel @p1 .LBB2_3-.Ltmp3, $4  }
0x42: {  	_ = 	snop  }
0x43: {  	s4 =	sand.u32 $0x7E00, s4  }
0x44: {  	s5 =	sand.u32 $0x70, s1;
	s4 =	sshrl.u32 s4, $0x2  }
0x45: {  	s4 =	sor.u32 s5, s4  }
0x46: {  	[tilespmem:s4+$0x0] =	vst v0;
	s31 =	simm.s32 $0x0;
	s0 =	sld [smem:$0x7F6]  }
0x47: {  	[spmem:s15] =	stream.linear.scatter [tilespmem:s31], [sflag:$0x1], $0x2000, $0x38;
	[tilespmem:$0x1C600] =	vst v63  }
0x48: {  	s8 =	sld [smem:$0x7F7]  }
0x49: {  	[spmem:s0] =	stream.linear.scatter [tilespmem:s31], [sflag:$0x1], $0x2000, $0x38;
	[tilespmem:$0x1C600] =	vst v63  }
0x4a: {  	s9 =	sld [smem:$0x7F8]  }
0x4b: {  	[spmem:s8] =	stream.linear.scatter [tilespmem:s31], [sflag:$0x1], $0x2000, $0x38;
	[tilespmem:$0x1C600] =	vst v63  }
0x4c: {  	s10 =	sld [smem:$0x7F9]  }
0x4d: {  	[spmem:s9] =	stream.linear.scatter [tilespmem:s31], [sflag:$0x1], $0x2000, $0x38;
	[tilespmem:$0x1C600] =	vst v63  }
0x4e: {  	s1 =	sld [smem:$0x7FA]  }
0x4f: {  	[spmem:s10] =	stream.linear.scatter [tilespmem:s31], [sflag:$0x1], $0x2000, $0x38;
	[tilespmem:$0x1C600] =	vst v63  }
0x50: {  	s4 =	sld [smem:$0x7FB]  }
0x51: {  	[spmem:s1] =	stream.linear.scatter [tilespmem:s31], [sflag:$0x1], $0x2000, $0x38;
	[tilespmem:$0x1C600] =	vst v63  }
0x52: {  	s5 =	sld [smem:$0x7FC]  }
0x53: {  	[spmem:s4] =	stream.linear.scatter [tilespmem:s31], [sflag:$0x1], $0x2000, $0x38;
	[tilespmem:$0x1C600] =	vst v63  }
0x54: {  	s6 =	sld [smem:$0x7FD]  }
0x55: {  	[spmem:s5] =	stream.linear.scatter [tilespmem:s31], [sflag:$0x1], $0x2000, $0x38;
	[tilespmem:$0x1C600] =	vst v63  }
0x56: {  	_ = 	snop  }
0x57: {  	[spmem:s6] =	stream.linear.scatter [tilespmem:s31], [sflag:$0x1], $0x2000, $0x38;
	[tilespmem:$0x1C600] =	vst v63  }
0x58: {  	_ = 	snop  }
0x59: {  	[spmem:s11] =	stream.linear.scatter [tilespmem:s31], [sflag:$0x1], $0x2000, $0x38;
	[tilespmem:$0x1C600] =	vst v63  }
0x5a: {  	s1 =	simm.s32 $0x8000  }
0x5b: {  	[tilespmem:s1], [sflag:$0x9] =	stream.linear.gather [hbm4b:s16+s31], $0x80, $0x38;
	[tilespmem:$0x1C600] =	vst v63  }
0x5c: {  	s7 =	rddreg [dreg:$0x12];
	s4 =	simm.s32 $0x8080  }
0x5d: {  	[tilespmem:s4], [sflag:$0xA] =	stream.linear.gather [hbm4b:s7+s31], $0x80, $0x38;
	[tilespmem:$0x1C600] =	vst v63  }
0x5e: {  	s8 =	rddreg [dreg:$0x13];
	s5 =	simm.s32 $0x8100  }
0x5f: {  	[tilespmem:s5], [sflag:$0xB] =	stream.linear.gather [hbm4b:s8+s31], $0x80, $0x38;
	[tilespmem:$0x1C600] =	vst v63  }
0x60: {  	s9 =	rddreg [dreg:$0x14];
	s10 =	simm.s32 $0x8180  }
0x61: {  	[tilespmem:s10], [sflag:$0xC] =	stream.linear.gather [hbm4b:s9+s31], $0x80, $0x38;
	[tilespmem:$0x1C600] =	vst v63  }
0x62: {  	_ =	swait.ge [sflag:s17], $0x2000  }
0x63: {  	[sflag:s17] =	ssyncset.done $0x0  }
0x64: {  	[sflag:s17] =	ssyncadd.s32 $0xFFFFE000  }
0x65: {  	_ =	swait.ge [sflag:s17], $0x2000  }
0x66: {  	[sflag:s17] =	ssyncset.done $0x0  }
0x67: {  	[sflag:s17] =	ssyncadd.s32 $0xFFFFE000  }
0x68: {  	_ =	swait.ge [sflag:s17], $0x2000  }
0x69: {  	[sflag:s17] =	ssyncset.done $0x0  }
0x6a: {  	[sflag:s17] =	ssyncadd.s32 $0xFFFFE000  }
0x6b: {  	_ =	swait.ge [sflag:s17], $0x2000  }
0x6c: {  	[sflag:s17] =	ssyncset.done $0x0  }
0x6d: {  	[sflag:s17] =	ssyncadd.s32 $0xFFFFE000  }
0x6e: {  	_ =	swait.ge [sflag:s17], $0x2000  }
0x6f: {  	[sflag:s17] =	ssyncset.done $0x0  }
0x70: {  	[sflag:s17] =	ssyncadd.s32 $0xFFFFE000  }
0x71: {  	_ =	swait.ge [sflag:s17], $0x2000  }
0x72: {  	[sflag:s17] =	ssyncset.done $0x0  }
0x73: {  	[sflag:s17] =	ssyncadd.s32 $0xFFFFE000  }
0x74: {  	_ =	swait.ge [sflag:s17], $0x2000  }
0x75: {  	[sflag:s17] =	ssyncset.done $0x0  }
0x76: {  	[sflag:s17] =	ssyncadd.s32 $0xFFFFE000  }
0x77: {  	_ =	swait.ge [sflag:s17], $0x2000  }
0x78: {  	[sflag:s17] =	ssyncset.done $0x0  }
0x79: {  	[sflag:s17] =	ssyncadd.s32 $0xFFFFE000  }
0x7a: {  	_ =	swait.ge [sflag:s17], $0x2000  }
0x7b: {  	[sflag:s17] =	ssyncset.done $0x0  }
0x7c: {  	[sflag:s17] =	ssyncadd.s32 $0xFFFFE000  }
0x7d: {  	_ =	swait.ge [sflag:s17], $0x2000  }
0x7e: {  	[sflag:s17] =	ssyncset.done $0x0  }
0x7f: {  	[sflag:s17] =	ssyncadd.s32 $0xFFFFE000  }
0x80: {  	[bflag:$0x0] =	sbarrier.arrive $0xFFFF  }
0x81: {  	_ =	swait.ge [sflag:s18], $0x80  }
0x82: {  	[sflag:s18] =	ssyncset.done $0x0  }
0x83: {  	[sflag:s18] =	ssyncadd.s32 $0xFFFFFF80  }
0x84: {  	v1 =	vld [tilespmem:$0x8000];
	_ =	sdelay $0x1  }
0x85: {  	v2 =	vld [tilespmem:$0x8010];
	_ =	sdelay $0x1  }
0x86: {  	v3 =	vld [tilespmem:$0x8020]  }
0x87: {  	v4 =	vand.u32 $0x3FFF, v1  }
0x88: {  	v1 =	vshrl.u32 v1, $0xE;
	[tilespmem:$0x8200] =	vst v4;
	v4 =	vld [tilespmem:$0x8030]  }
0x89: {  	[tilespmem:$0x8400] =	vst v1;
	v1 =	vand.u32 $0x3FFF, v2  }
0x8a: {  	[tilespmem:$0x8210] =	vst v1;
	v1 =	vshrl.u32 v2, $0xE  }
0x8b: {  	[tilespmem:$0x8410] =	vst v1;
	v1 =	vand.u32 $0x3FFF, v3  }
0x8c: {  	[tilespmem:$0x8220] =	vst v1;
	v1 =	vshrl.u32 v3, $0xE  }
0x8d: {  	[tilespmem:$0x8420] =	vst v1;
	v1 =	vand.u32 $0x3FFF, v4  }
0x8e: {  	[tilespmem:$0x8230] =	vst v1;
	v1 =	vshrl.u32 v4, $0xE  }
0x8f: {  	s5 =	rddreg [dreg:$0x15];
	[tilespmem:$0x8430] =	vst v1  }
0x90: {  	[tilespmem:s1], [sflag:$0x9] =	stream.linear.gather [hbm4b:s5+s31], $0x80, $0x38;
	[tilespmem:$0x1C600] =	vst v63  }
0x91: {  	s6 =	simm.s32 $0x8200  }
0x92: {  	[tilespmem:s31], [sflag:$0x1] =	stream.indirect.gather [hbm4b:s14+s19], $0x80, s6, s19, $0xb8;
	[tilespmem:$0x1C600] =	vst v63  }
0x93: {  	_ =	swait.ge [sflag:s20], $0x80  }
0x94: {  	[sflag:s20] =	ssyncset.done $0x0  }
0x95: {  	[sflag:s20] =	ssyncadd.s32 $0xFFFFFF80  }
0x96: {  	v1 =	vld [tilespmem:$0x8080];
	_ =	sdelay $0x1  }
0x97: {  	v2 =	vld [tilespmem:$0x8090];
	_ =	sdelay $0x1  }
0x98: {  	v3 =	vld [tilespmem:$0x80A0]  }
0x99: {  	v4 =	vand.u32 $0x3FFF, v1  }
0x9a: {  	v1 =	vshrl.u32 v1, $0xE;
	[tilespmem:$0x8280] =	vst v4;
	v4 =	vld [tilespmem:$0x80B0]  }
0x9b: {  	[tilespmem:$0x8480] =	vst v1;
	v1 =	vand.u32 $0x3FFF, v2  }
0x9c: {  	[tilespmem:$0x8290] =	vst v1;
	v1 =	vshrl.u32 v2, $0xE  }
0x9d: {  	[tilespmem:$0x8490] =	vst v1;
	v1 =	vand.u32 $0x3FFF, v3  }
0x9e: {  	[tilespmem:$0x82A0] =	vst v1;
	v1 =	vshrl.u32 v3, $0xE  }
0x9f: {  	[tilespmem:$0x84A0] =	vst v1;
	v1 =	vand.u32 $0x3FFF, v4  }
0xa0: {  	[tilespmem:$0x82B0] =	vst v1;
	v1 =	vshrl.u32 v4, $0xE  }
0xa1: {  	p2 =	por $0x1, $0x1;
	s7 =	rddreg [dreg:$0x16];
	[tilespmem:$0x84B0] =	vst v1  }
0xa2: {  	[tilespmem:s4], [sflag:$0xA] =	stream.linear.gather [hbm4b:s7+s31], $0x80, $0x38;
	[tilespmem:$0x1C600] =	vst v63  }
0xa3: {  	s0 =	simm.s32 @!p2 $0x7;
	s8 =	simm.s32 $0x8280;
	s9 =	simm.s32 $0x2000  }
0xa4: {  	[tilespmem:s9], [sflag:$0x2] =	stream.indirect.gather [hbm4b:s14+s19], $0x80, s8, s19, $0xb8;
	[tilespmem:$0x1C600] =	vst v63  }
0xa5: {  	_ =	swait.ge @!p2 [sflag:s0], $0x2000  }
0xa6: {  	[sflag:s0] =	ssyncset.done @!p2 $0x0  }
0xa7: {  	[sflag:s0] =	ssyncadd.s32 @!p2 $0xFFFFE000  }
0xa8: {  	_ =	swait.ge [sflag:s21], $0x80  }
0xa9: {  	[sflag:s21] =	ssyncset.done $0x0  }
0xaa: {  	[sflag:s21] =	ssyncadd.s32 $0xFFFFFF80  }
0xab: {  	v1 =	vld [tilespmem:$0x8130]  }
0xac: {  	v2 =	vld [tilespmem:$0x8110];
	_ =	sdelay $0x2  }
0xad: {  	v3 =	vld [tilespmem:$0x8120]  }
0xae: {  	v5 =	vld [tilespmem:$0x8100];
	v4 =	vand.u32 $0x3FFF, v1  }
0xaf: {  	v6 =	vshrl.u32 v2, $0xE;
	[tilespmem:$0x8330] =	vst v4  }
0xb0: {  	v2 =	vand.u32 $0x3FFF, v2;
	[tilespmem:$0x8510] =	vst v6  }
0xb1: {  	v1 =	vshrl.u32 v1, $0xE;
	[tilespmem:$0x8310] =	vst v2  }
0xb2: {  	v2 =	vshrl.u32 v3, $0xE;
	[tilespmem:$0x8530] =	vst v1  }
0xb3: {  	v1 =	vand.u32 $0x3FFF, v5;
	[tilespmem:$0x8520] =	vst v2  }
0xb4: {  	p1 =	por $0x0, $0x0;
	v2 =	vand.u32 $0x3FFF, v3;
	[tilespmem:$0x8300] =	vst v1  }
0xb5: {  	s0 =	sadd.s32 @!p1 $0x0, s16;
	[tilespmem:$0x8320] =	vst v2;
	v2 =	vshrl.u32 v5, $0xE  }
0xb6: {  	s1 =	simm.s32 @!p1 $0x8100;
	s4 =	simm.s32 @!p1 $0x0;
	s5 =	sadd.s32 @!p1 $0x60, s0;
	[tilespmem:$0x8500] =	vst v2  }
0xb7: {  	[tilespmem:s1], [sflag:$0xB] =	stream.linear.gather @!p1 [hbm4b:s5+s4], $0x80, $0x38;
	[tilespmem:$0x1C600] =	vst v63  }
0xb8: {  	s6 =	rddreg [dreg:$0x3]  }
0xb9: {  	[tilespmem:s12], [sflag:$0x3] =	stream.indirect.gather [hbm4b:s14+s19], $0x80, s6, s19, $0xb8;
	[tilespmem:$0x1C600] =	vst v63  }
0xba: {  	_ =	swait.ge [sflag:s17], $0x2000  }
0xbb: {  	[sflag:s17] =	ssyncset.done $0x0  }
0xbc: {  	s5 =	simm.s32 @!p2 $0x8;
	s10 =	rddreg [dreg:$0x4];
	[sflag:s17] =	ssyncadd.s32 $0xFFFFE000  }
0xbd: {  	[spmem:s2] =	stream.indirect.scatter.add.f32 [tilespmem:s3], [sflag:$0x5], $0x80, s10, s19, $0xb8;
	[tilespmem:$0x1C600] =	vst v63  }
0xbe: {  	_ =	swait.ge @!p2 [sflag:s5], $0x2000  }
0xbf: {  	[sflag:s5] =	ssyncset.done @!p2 $0x0  }
0xc0: {  	[sflag:s5] =	ssyncadd.s32 @!p2 $0xFFFFE000  }
0xc1: {  	_ =	swait.ge [sflag:s13], $0x80  }
0xc2: {  	[sflag:s13] =	ssyncset.done $0x0  }
0xc3: {  	[sflag:s13] =	ssyncadd.s32 $0xFFFFFF80  }
0xc4: {  	v1 =	vld [tilespmem:$0x8180]  }
0xc5: {  	v3 =	vld [tilespmem:$0x8190];
	_ =	sdelay $0x2  }
0xc6: {  	v2 =	vld [tilespmem:$0x81A0]  }
0xc7: {  	v5 =	vand.u32 $0x3FFF, v1  }
0xc8: {  	v4 =	vld [tilespmem:$0x81B0];
	v63 =	vshrl.u32 v3, $0xE;
	[tilespmem:$0x8380] =	vst v5  }
0xc9: {  	v3 =	vand.u32 $0x3FFF, v3;
	[tilespmem:$0x8590] =	vst v63  }
0xca: {  	v1 =	vshrl.u32 v1, $0xE;
	[tilespmem:$0x8390] =	vst v3  }
0xcb: {  	v5 =	vand.u32 $0x3FFF, v2;
	[tilespmem:$0x8580] =	vst v1  }
0xcc: {  	v2 =	vshrl.u32 v2, $0xE;
	[tilespmem:$0x83A0] =	vst v5  }
0xcd: {  	v5 =	vshrl.u32 v4, $0xE;
	[tilespmem:$0x85A0] =	vst v2  }
0xce: {  	v4 =	vand.u32 $0x3FFF, v4;
	[tilespmem:$0x85B0] =	vst v5  }
0xcf: {  	s1 =	simm.s32 @p1 $0x40;
	s6 =	simm.s32 @p1 $0x6000;
	s5 =	simm.s32 @p1 $0x8380;
	[tilespmem:$0x83B0] =	vst v4  }
0xd0: {  	[tilespmem:s6], [sflag:$0x4] =	stream.indirect.gather @p1 [hbm4b:s14+s1], $0x80, s5, s1, $0xb8;
	[tilespmem:$0x1C600] =	vst v63  }
0xd1: {  	s5 =	simm.s32 @p1 $0x2  }
0xd2: {  	_ =	swait.ge @p1 [sflag:s5], $0x2000  }
0xd3: {  	[sflag:s5] =	ssyncset.done @p1 $0x0  }
0xd4: {  	s6 =	simm.s32 @p1 $0x2000;
	[sflag:s5] =	ssyncadd.s32 @p1 $0xFFFFE000;
	s5 =	simm.s32 @p1 $0x8480  }
0xd5: {  	[spmem:s2] =	stream.indirect.scatter.add.f32 @p1 [tilespmem:s6], [sflag:$0x6], $0x80, s5, s1, $0xb8;
	[tilespmem:$0x1C600] =	vst v63  }
0xd6: {  	s0 =	sadd.s32 @!p1 $0x70, s0;
	s1 =	simm.s32 @!p1 $0x8180;
	s6 =	simm.s32 @!p1 $0x2  }
0xd7: {  	[tilespmem:s1], [sflag:$0xC] =	stream.linear.gather @!p1 [hbm4b:s0+s4], $0x80, $0x38;
	[tilespmem:$0x1C600] =	vst v63  }
0xd8: {  	s5 =	simm.s32 @!p1 $0x40;
	s0 =	simm.s32 @!p1 $0x8380;
	s1 =	simm.s32 @!p1 $0x6000  }
0xd9: {  	[tilespmem:s1], [sflag:$0x4] =	stream.indirect.gather @!p1 [hbm4b:s14+s5], $0x80, s0, s5, $0xb8;
	[tilespmem:$0x1C600] =	vst v63  }
0xda: {  	_ =	swait.ge @!p1 [sflag:s6], $0x2000  }
0xdb: {  	s0 =	simm.s32 @!p1 $0x5;
	[sflag:s6] =	ssyncset.done @!p1 $0x0  }
0xdc: {  	s1 =	simm.s32 @!p1 $0x8480;
	[sflag:s6] =	ssyncadd.s32 @!p1 $0xFFFFE000;
	s6 =	simm.s32 @!p1 $0x2000  }
0xdd: {  	[spmem:s2] =	stream.indirect.scatter.add.f32 @!p1 [tilespmem:s6], [sflag:$0x6], $0x80, s1, s5, $0xb8;
	[tilespmem:$0x1C600] =	vst v63  }
0xde: {  	_ =	swait.ge @!p1 [sflag:s0], $0x2000  }
0xdf: {  	[sflag:s0] =	ssyncset.done @!p1 $0x0  }
0xe0: {  	[sflag:s0] =	ssyncadd.s32 @!p1 $0xFFFFE000;
	s0 =	simm.s32 @!p1 $0x9  }
0xe1: {  	_ =	swait.ge @!p1 [sflag:s0], $0x80  }
0xe2: {  	[sflag:s0] =	ssyncset.done @!p1 $0x0  }
0xe3: {  	[sflag:s0] =	ssyncadd.s32 @!p1 $0xFFFFFF80  }
0xe4: {  	v1 =	vld @!p1 [tilespmem:$0x8000]  }
0xe5: {  	v3 =	vld @!p1 [tilespmem:$0x8010]  }
0xe6: {  	p3 =	por @!p1 $0x0, $0x0;
	s1 =	simm.s32 $0x40;
	s0 =	simm.s32 $0x0;
	v2 =	vld @!p1 [tilespmem:$0x8020]  }
.LBB2_5:
0xe7: {  	_ = 	snop  }
0xe8: {  	v4 =	vld @!p1 [tilespmem:$0x8030]  }
0xe9: {  	v5 =	vand.u32 @!p1 $0x3FFF, v1;
	v1 =	vshrl.u32 @!p1 v1, $0xE  }
0xea: {  	[tilespmem:$0x8400] =	vst @!p1 v1  }
0xeb: {  	v1 =	vand.u32 @!p1 $0x3FFF, v3;
	[tilespmem:$0x8200] =	vst @!p1 v5  }
0xec: {  	v3 =	vshrl.u32 @!p1 v3, $0xE;
	[tilespmem:$0x8210] =	vst @!p1 v1  }
0xed: {  	[tilespmem:$0x8410] =	vst @!p1 v3;
	v3 =	vand.u32 @!p1 $0x3FFF, v4;
	v4 =	vshrl.u32 @!p1 v4, $0xE  }
0xee: {  	v1 =	vand.u32 @!p1 $0x3FFF, v2;
	[tilespmem:$0x8430] =	vst @!p1 v4  }
0xef: {  	s7 =	smov.u32 s1;
	p3 =	por p3, p1;
	v2 =	vshrl.u32 @!p1 v2, $0xE;
	[tilespmem:$0x8220] =	vst @!p1 v1  }
0xf0: {  	s8 =	sadd.s32 @!p3 s0, s16;
	s0 =	smov.u32 s7;
	[tilespmem:$0x8420] =	vst @!p1 v2  }
0xf1: {  	s7 =	simm.s32 @!p3 $0x0;
	s10 =	simm.s32 @!p3 $0x8000;
	s9 =	sadd.s32 @!p3 $0x80, s8;
	[tilespmem:$0x8230] =	vst @!p1 v3  }
0xf2: {  	[tilespmem:s10], [sflag:$0x9] =	stream.linear.gather @!p3 [hbm4b:s9+s7], $0x80, $0x38;
	[tilespmem:$0x1C600] =	vst v63  }
0xf3: {  	s9 =	simm.s32 @!p1 $0x8200  }
0xf4: {  	[tilespmem:s4], [sflag:$0x1] =	stream.indirect.gather @!p1 [hbm4b:s14+s5], $0x80, s9, s5, $0xb8;
	[tilespmem:$0x1C600] =	vst v63  }
0xf5: {  	_ =	swait.ge [sflag:s23], $0x2000  }
0xf6: {  	[sflag:s23] =	ssyncset.done $0x0  }
0xf7: {  	s9 =	simm.s32 @!p1 $0x6;
	s10 =	rddreg [dreg:$0x5];
	[sflag:s23] =	ssyncadd.s32 $0xFFFFE000  }
0xf8: {  	[spmem:s2] =	stream.indirect.scatter.add.f32 [tilespmem:s12], [sflag:$0x7], $0x80, s10, s19, $0xb8;
	[tilespmem:$0x1C600] =	vst v63  }
0xf9: {  	_ =	swait.ge @!p1 [sflag:s9], $0x2000  }
0xfa: {  	[sflag:s9] =	ssyncset.done @!p1 $0x0  }
0xfb: {  	s4 =	simm.s32 @!p1 $0xA;
	[sflag:s9] =	ssyncadd.s32 @!p1 $0xFFFFE000  }
0xfc: {  	_ =	swait.ge @!p1 [sflag:s4], $0x80  }
0xfd: {  	[sflag:s4] =	ssyncset.done @!p1 $0x0  }
0xfe: {  	[sflag:s4] =	ssyncadd.s32 @!p1 $0xFFFFFF80  }
0xff: {  	v1 =	vld @!p1 [tilespmem:$0x8080];
	_ =	sdelay $0x1  }
0x100: {  	v2 =	vld @!p1 [tilespmem:$0x8090];
	_ =	sdelay $0x1  }
0x101: {  	v4 =	vld @!p1 [tilespmem:$0x80B0]  }
0x102: {  	v5 =	vand.u32 @!p1 $0x3FFF, v1  }
0x103: {  	v3 =	vld @!p1 [tilespmem:$0x80A0];
	v1 =	vshrl.u32 @!p1 v1, $0xE;
	[tilespmem:$0x8280] =	vst @!p1 v5  }
0x104: {  	v5 =	vand.u32 @!p1 $0x3FFF, v2;
	[tilespmem:$0x8480] =	vst @!p1 v1  }
0x105: {  	v2 =	vshrl.u32 @!p1 v2, $0xE;
	[tilespmem:$0x8290] =	vst @!p1 v5  }
0x106: {  	[tilespmem:$0x8490] =	vst @!p1 v2;
	v2 =	vand.u32 @!p1 $0x3FFF, v4  }
0x107: {  	v4 =	vshrl.u32 @!p1 v4, $0xE;
	[tilespmem:$0x82B0] =	vst @!p1 v2  }
0x108: {  	v5 =	vand.u32 @!p1 $0x3FFF, v3;
	[tilespmem:$0x84B0] =	vst @!p1 v4  }
0x109: {  	v3 =	vshrl.u32 @!p1 v3, $0xE;
	[tilespmem:$0x82A0] =	vst @!p1 v5  }
0x10a: {  	s8 =	sadd.s32 @!p3 $0x90, s8;
	s9 =	simm.s32 @!p3 $0x8080;
	[tilespmem:$0x84A0] =	vst @!p1 v3  }
0x10b: {  	[tilespmem:s9], [sflag:$0xA] =	stream.linear.gather @!p3 [hbm4b:s8+s7], $0x80, $0x38;
	[tilespmem:$0x1C600] =	vst v63  }
0x10c: {  	s7 =	simm.s32 @!p1 $0x8280  }
0x10d: {  	[tilespmem:s6], [sflag:$0x2] =	stream.indirect.gather @!p1 [hbm4b:s14+s5], $0x80, s7, s5, $0xb8;
	[tilespmem:$0x1C600] =	vst v63  }
0x10e: {  	_ =	swait.ge [sflag:s24], $0x2000  }
0x10f: {  	p4 =	seq.s32 s0, $0x0;
	[sflag:s24] =	ssyncset.done $0x0;
	s7 =	rddreg [dreg:$0x6]  }
0x110: {  	s4 =	simm.s32 @!p4 $0x7;
	s8 =	rddreg [dreg:$0x7];
	[sflag:s24] =	ssyncadd.s32 $0xFFFFE000  }
0x111: {  	[spmem:s2] =	stream.indirect.scatter.add.f32 [tilespmem:s7], [sflag:$0x8], $0x80, s8, s19, $0xb8;
	[tilespmem:$0x1C600] =	vst v63  }
0x112: {  	_ =	swait.ge @!p4 [sflag:s4], $0x2000  }
0x113: {  	[sflag:s4] =	ssyncset.done @!p4 $0x0  }
0x114: {  	[sflag:s4] =	ssyncadd.s32 @!p4 $0xFFFFE000  }
0x115: {  	_ =	swait.ge [sflag:s21], $0x80  }
0x116: {  	[sflag:s21] =	ssyncset.done $0x0  }
0x117: {  	[sflag:s21] =	ssyncadd.s32 $0xFFFFFF80  }
0x118: {  	v1 =	vld [tilespmem:$0x8130]  }
0x119: {  	v2 =	vld [tilespmem:$0x8110];
	_ =	sdelay $0x2  }
0x11a: {  	v3 =	vld [tilespmem:$0x8120]  }
0x11b: {  	v5 =	vand.u32 $0x3FFF, v1  }
0x11c: {  	v4 =	vld [tilespmem:$0x8100];
	v6 =	vand.u32 $0x3FFF, v2;
	v2 =	vshrl.u32 v2, $0xE;
	[tilespmem:$0x8330] =	vst v5  }
0x11d: {  	[tilespmem:$0x8510] =	vst v2  }
0x11e: {  	v1 =	vshrl.u32 v1, $0xE;
	[tilespmem:$0x8310] =	vst v6  }
0x11f: {  	v2 =	vand.u32 $0x3FFF, v3;
	v3 =	vshrl.u32 v3, $0xE;
	[tilespmem:$0x8530] =	vst v1  }
0x120: {  	[tilespmem:$0x8520] =	vst v3  }
0x121: {  	p1 =	seq.s32 s0, $0x13C0;
	v5 =	vand.u32 $0x3FFF, v4;
	[tilespmem:$0x8320] =	vst v2  }
0x122: {  	s5 =	sadd.s32 @!p1 s0, s16;
	v4 =	vshrl.u32 v4, $0xE;
	[tilespmem:$0x8300] =	vst v5  }
0x123: {  	s6 =	simm.s32 @!p1 $0x8100;
	s7 =	sadd.s32 @!p1 $0x60, s5;
	s4 =	simm.s32 @!p1 $0x0;
	[tilespmem:$0x8500] =	vst v4  }
0x124: {  	[tilespmem:s6], [sflag:$0xB] =	stream.linear.gather @!p1 [hbm4b:s7+s4], $0x80, $0x38;
	[tilespmem:$0x1C600] =	vst v63  }
0x125: {  	s9 =	rddreg [dreg:$0x3]  }
0x126: {  	[tilespmem:s12], [sflag:$0x3] =	stream.indirect.gather [hbm4b:s14+s19], $0x80, s9, s19, $0xb8;
	[tilespmem:$0x1C600] =	vst v63  }
0x127: {  	_ =	swait.ge [sflag:s17], $0x2000  }
0x128: {  	[sflag:s17] =	ssyncset.done $0x0  }
0x129: {  	s7 =	simm.s32 @!p4 $0x8;
	s10 =	rddreg [dreg:$0x4];
	[sflag:s17] =	ssyncadd.s32 $0xFFFFE000  }
0x12a: {  	[spmem:s2] =	stream.indirect.scatter.add.f32 [tilespmem:s3], [sflag:$0x5], $0x80, s10, s19, $0xb8;
	[tilespmem:$0x1C600] =	vst v63  }
0x12b: {  	_ =	swait.ge @!p4 [sflag:s7], $0x2000  }
0x12c: {  	[sflag:s7] =	ssyncset.done @!p4 $0x0  }
0x12d: {  	[sflag:s7] =	ssyncadd.s32 @!p4 $0xFFFFE000  }
0x12e: {  	_ =	swait.ge [sflag:s13], $0x80  }
0x12f: {  	[sflag:s13] =	ssyncset.done $0x0  }
0x130: {  	[sflag:s13] =	ssyncadd.s32 $0xFFFFFF80  }
0x131: {  	v2 =	vld [tilespmem:$0x8180]  }
0x132: {  	v1 =	vld [tilespmem:$0x81A0]  }
0x133: {  	v4 =	vld [tilespmem:$0x81B0];
	_ =	sdelay $0x2  }
0x134: {  	v5 =	vand.u32 $0x3FFF, v2  }
0x135: {  	v3 =	vld [tilespmem:$0x8190];
	v62 =	vand.u32 $0x3FFF, v1;
	[tilespmem:$0x8380] =	vst v5  }
0x136: {  	v63 =	vand.u32 $0x3FFF, v4;
	v4 =	vshrl.u32 v4, $0xE;
	[tilespmem:$0x83A0] =	vst v62  }
0x137: {  	[tilespmem:$0x85B0] =	vst v4  }
0x138: {  	v2 =	vshrl.u32 v2, $0xE;
	[tilespmem:$0x83B0] =	vst v63  }
0x139: {  	v1 =	vshrl.u32 v1, $0xE;
	[tilespmem:$0x8580] =	vst v2  }
0x13a: {  	v5 =	vand.u32 $0x3FFF, v3;
	v3 =	vshrl.u32 v3, $0xE;
	[tilespmem:$0x85A0] =	vst v1  }
0x13b: {  	s8 =	simm.s32 @p1 $0x8380;
	[tilespmem:$0x8590] =	vst v3  }
0x13c: {  	s6 =	simm.s32 @p1 $0x2;
	s9 =	simm.s32 @p1 $0x6000;
	s7 =	simm.s32 @p1 $0x40;
	[tilespmem:$0x8390] =	vst v5  }
0x13d: {  	[tilespmem:s9], [sflag:$0x4] =	stream.indirect.gather @p1 [hbm4b:s14+s7], $0x80, s8, s7, $0xb8;
	[tilespmem:$0x1C600] =	vst v63  }
0x13e: {  	_ =	swait.ge @p1 [sflag:s6], $0x2000  }
0x13f: {  	[sflag:s6] =	ssyncset.done @p1 $0x0  }
0x140: {  	s8 =	simm.s32 @p1 $0x2000;
	[sflag:s6] =	ssyncadd.s32 @p1 $0xFFFFE000;
	s6 =	simm.s32 @p1 $0x8480  }
0x141: {  	[spmem:s2] =	stream.indirect.scatter.add.f32 @p1 [tilespmem:s8], [sflag:$0x6], $0x80, s6, s7, $0xb8;
	[tilespmem:$0x1C600] =	vst v63  }
0x142: {  	s5 =	sadd.s32 @!p1 $0x70, s5;
	s6 =	simm.s32 @!p1 $0x8180;
	s7 =	simm.s32 @!p1 $0x2  }
0x143: {  	[tilespmem:s6], [sflag:$0xC] =	stream.linear.gather @!p1 [hbm4b:s5+s4], $0x80, $0x38;
	[tilespmem:$0x1C600] =	vst v63  }
0x144: {  	s8 =	simm.s32 @!p1 $0x6000;
	s5 =	simm.s32 @!p1 $0x40;
	s6 =	simm.s32 @!p1 $0x8380  }
0x145: {  	[tilespmem:s8], [sflag:$0x4] =	stream.indirect.gather @!p1 [hbm4b:s14+s5], $0x80, s6, s5, $0xb8;
	[tilespmem:$0x1C600] =	vst v63  }
0x146: {  	_ =	swait.ge @!p1 [sflag:s7], $0x2000  }
0x147: {  	s8 =	simm.s32 @!p1 $0x5;
	[sflag:s7] =	ssyncset.done @!p1 $0x0  }
0x148: {  	s6 =	simm.s32 @!p1 $0x2000;
	[sflag:s7] =	ssyncadd.s32 @!p1 $0xFFFFE000;
	s7 =	simm.s32 @!p1 $0x8480  }
0x149: {  	[spmem:s2] =	stream.indirect.scatter.add.f32 @!p1 [tilespmem:s6], [sflag:$0x6], $0x80, s7, s5, $0xb8;
	[tilespmem:$0x1C600] =	vst v63  }
0x14a: {  	_ =	swait.ge @!p1 [sflag:s8], $0x2000  }
0x14b: {  	[sflag:s8] =	ssyncset.done @!p1 $0x0  }
0x14c: {  	s1 =	sadd.s32 $0x40, s1;
	s7 =	simm.s32 @!p1 $0x9;
	[sflag:s8] =	ssyncadd.s32 @!p1 $0xFFFFE000  }
0x14d: {  	p2 =	seq.s32 s1, $0x1400;
	_ =	swait.ge @!p1 [sflag:s7], $0x80  }
.Ltmp4:
0x14e: {  	[sflag:s7] =	ssyncset.done @!p1 $0x0;
	(pc) =	sbr.rel @!p2 .LBB2_5-.Ltmp4, $4  }
0x14f: {  	[sflag:s7] =	ssyncadd.s32 @!p1 $0xFFFFFF80  }
0x150: {  	v1 =	vld @!p1 [tilespmem:$0x8000]  }
0x151: {  	s31 =	sadd.s32 $0x1, s31;
	v3 =	vld @!p1 [tilespmem:$0x8010]  }
0x152: {  	p3 =	sgt.u32 @!p1 s31, $0x4D;
	v2 =	vld @!p1 [tilespmem:$0x8020]  }
0x153: {  	_ =	sdelay $0x1  }
0x154: {  	v5 =	vshrl.u32 @!p1 v1, $0xE  }
0x155: {  	v4 =	vld @!p1 [tilespmem:$0x8030];
	v1 =	vand.u32 @!p1 $0x3FFF, v1;
	[tilespmem:$0x8400] =	vst @!p1 v5  }
0x156: {  	v5 =	vand.u32 @!p1 $0x3FFF, v3;
	[tilespmem:$0x8200] =	vst @!p1 v1  }
0x157: {  	v3 =	vshrl.u32 @!p1 v3, $0xE;
	[tilespmem:$0x8210] =	vst @!p1 v5  }
0x158: {  	[tilespmem:$0x8410] =	vst @!p1 v3;
	v5 =	vand.u32 @!p1 $0x3FFF, v2  }
0x159: {  	v2 =	vshrl.u32 @!p1 v2, $0xE;
	[tilespmem:$0x8220] =	vst @!p1 v5  }
0x15a: {  	p2 =	por p3, p1;
	v3 =	vshrl.u32 @!p1 v4, $0xE;
	[tilespmem:$0x8420] =	vst @!p1 v2  }
0x15b: {  	s0 =	sadd.s32 @!p2 s0, s16;
	v2 =	vand.u32 @!p1 $0x3FFF, v4;
	[tilespmem:$0x8430] =	vst @!p1 v3  }
0x15c: {  	s7 =	simm.s32 @!p2 $0x0;
	s8 =	simm.s32 @!p2 $0x8000;
	s1 =	sadd.s32 @!p2 $0x80, s0;
	[tilespmem:$0x8230] =	vst @!p1 v2  }
0x15d: {  	[tilespmem:s8], [sflag:$0x9] =	stream.linear.gather @!p2 [hbm4b:s1+s7], $0x80, $0x38;
	[tilespmem:$0x1C600] =	vst v63  }
0x15e: {  	s1 =	simm.s32 @!p1 $0x8200  }
0x15f: {  	[tilespmem:s4], [sflag:$0x1] =	stream.indirect.gather @!p1 [hbm4b:s14+s5], $0x80, s1, s5, $0xb8;
	[tilespmem:$0x1C600] =	vst v63  }
0x160: {  	_ =	swait.ge [sflag:s23], $0x2000  }
0x161: {  	[sflag:s23] =	ssyncset.done $0x0  }
0x162: {  	s4 =	simm.s32 @!p1 $0x6;
	s31 =	rddreg [dreg:$0x5];
	[sflag:s23] =	ssyncadd.s32 $0xFFFFE000  }
0x163: {  	[spmem:s2] =	stream.indirect.scatter.add.f32 [tilespmem:s12], [sflag:$0x7], $0x80, s31, s19, $0xb8;
	[tilespmem:$0x1C600] =	vst v63  }
0x164: {  	_ =	swait.ge @!p1 [sflag:s4], $0x2000  }
0x165: {  	[sflag:s4] =	ssyncset.done @!p1 $0x0  }
0x166: {  	s1 =	simm.s32 @!p1 $0xA;
	[sflag:s4] =	ssyncadd.s32 @!p1 $0xFFFFE000  }
0x167: {  	_ =	swait.ge @!p1 [sflag:s1], $0x80  }
0x168: {  	[sflag:s1] =	ssyncset.done @!p1 $0x0  }
0x169: {  	[sflag:s1] =	ssyncadd.s32 @!p1 $0xFFFFFF80  }
0x16a: {  	v1 =	vld @!p1 [tilespmem:$0x8080];
	_ =	sdelay $0x1  }
0x16b: {  	v2 =	vld @!p1 [tilespmem:$0x8090];
	_ =	sdelay $0x1  }
0x16c: {  	v3 =	vld @!p1 [tilespmem:$0x80B0]  }
0x16d: {  	v5 =	vand.u32 @!p1 $0x3FFF, v1  }
0x16e: {  	v4 =	vld @!p1 [tilespmem:$0x80A0];
	v1 =	vshrl.u32 @!p1 v1, $0xE;
	[tilespmem:$0x8280] =	vst @!p1 v5  }
0x16f: {  	v5 =	vand.u32 @!p1 $0x3FFF, v2;
	[tilespmem:$0x8480] =	vst @!p1 v1  }
0x170: {  	v2 =	vshrl.u32 @!p1 v2, $0xE;
	[tilespmem:$0x8290] =	vst @!p1 v5  }
0x171: {  	[tilespmem:$0x8490] =	vst @!p1 v2;
	v2 =	vand.u32 @!p1 $0x3FFF, v3  }
0x172: {  	v3 =	vshrl.u32 @!p1 v3, $0xE;
	[tilespmem:$0x82B0] =	vst @!p1 v2  }
0x173: {  	v2 =	vand.u32 @!p1 $0x3FFF, v4;
	[tilespmem:$0x84B0] =	vst @!p1 v3  }
0x174: {  	v3 =	vshrl.u32 @!p1 v4, $0xE;
	[tilespmem:$0x82A0] =	vst @!p1 v2  }
0x175: {  	s0 =	sadd.s32 @!p2 $0x90, s0;
	s1 =	simm.s32 @!p2 $0x8080;
	[tilespmem:$0x84A0] =	vst @!p1 v3  }
0x176: {  	[tilespmem:s1], [sflag:$0xA] =	stream.linear.gather @!p2 [hbm4b:s0+s7], $0x80, $0x38;
	[tilespmem:$0x1C600] =	vst v63  }
0x177: {  	s0 =	simm.s32 @!p1 $0x8280  }
0x178: {  	[tilespmem:s6], [sflag:$0x2] =	stream.indirect.gather @!p1 [hbm4b:s14+s5], $0x80, s0, s5, $0xb8;
	[tilespmem:$0x1C600] =	vst v63  }
0x179: {  	_ =	swait.ge [sflag:s24], $0x2000  }
0x17a: {  	s7 =	rddreg [dreg:$0x6];
	[sflag:s24] =	ssyncset.done $0x0  }
0x17b: {  	s8 =	rddreg [dreg:$0x7];
	[sflag:s24] =	ssyncadd.s32 $0xFFFFE000  }
0x17c: {  	[spmem:s2] =	stream.indirect.scatter.add.f32 [tilespmem:s7], [sflag:$0x8], $0x80, s8, s19, $0xb8;
	[tilespmem:$0x1C600] =	vst v63  }
0x17d: {  	_ =	swait.ge [sflag:s25], $0x2000  }
0x17e: {  	[sflag:s25] =	ssyncset.done $0x0  }
0x17f: {  	[sflag:s25] =	ssyncadd.s32 $0xFFFFE000  }
0x180: {  	_ =	swait.ge [sflag:s26], $0x2000  }
0x181: {  	[sflag:s26] =	ssyncset.done $0x0  }
0x182: {  	[sflag:s26] =	ssyncadd.s32 $0xFFFFE000  }
0x183: {  	_ =	swait.ge [sflag:s28], $0x2000  }
0x184: {  	[sflag:s28] =	ssyncset.done $0x0  }
0x185: {  	[sflag:s28] =	ssyncadd.s32 $0xFFFFE000  }
0x186: {  	_ =	swait.ge [sflag:s29], $0x2000  }
0x187: {  	[sflag:s29] =	ssyncset.done $0x0  }
0x188: {  	s9 =	stileid.u32;
	[sflag:s29] =	ssyncadd.s32 $0xFFFFE000  }
0x189: {  	s0 =	sshll.u32 s9, $0x6;
	[bflag:$0x0] =	sbarrier.arrive $0xFFFF  }
0x18a: {  	s10 =	sshrl.u32 s15, $0x3;
	s0 =	sor.u32 $0x1C01, s0;
	s31 =	rddreg [dreg:$0x8]  }
0x18b: {  	[hbm:s31], [sflag:s0] =	dma.local [spmem:s10], $0x400  }
0x18c: {  	s1 =	rddreg [dreg:$0x9]  }
0x18d: {  	s4 =	rddreg [dreg:$0x17]  }
0x18e: {  	[hbm:s1], [sflag:s0] =	dma.local [spmem:s4], $0x400  }
0x18f: {  	s1 =	rddreg [dreg:$0xa]  }
0x190: {  	s4 =	rddreg [dreg:$0x18]  }
0x191: {  	[hbm:s1], [sflag:s0] =	dma.local [spmem:s4], $0x400  }
0x192: {  	s1 =	rddreg [dreg:$0xb]  }
0x193: {  	s4 =	rddreg [dreg:$0x19]  }
0x194: {  	[hbm:s1], [sflag:s0] =	dma.local [spmem:s4], $0x400  }
0x195: {  	s1 =	rddreg [dreg:$0xc]  }
0x196: {  	s4 =	rddreg [dreg:$0x1a]  }
0x197: {  	[hbm:s1], [sflag:s0] =	dma.local [spmem:s4], $0x400  }
0x198: {  	s1 =	rddreg [dreg:$0xd]  }
0x199: {  	s4 =	rddreg [dreg:$0x1b]  }
0x19a: {  	[hbm:s1], [sflag:s0] =	dma.local [spmem:s4], $0x400  }
0x19b: {  	s1 =	rddreg [dreg:$0xe]  }
0x19c: {  	s4 =	rddreg [dreg:$0x1c]  }
0x19d: {  	[hbm:s1], [sflag:s0] =	dma.local [spmem:s4], $0x400  }
0x19e: {  	s1 =	rddreg [dreg:$0xf]  }
0x19f: {  	s4 =	rddreg [dreg:$0x1d]  }
0x1a0: {  	[hbm:s1], [sflag:s0] =	dma.local [spmem:s4], $0x400  }
0x1a1: {  	s1 =	rddreg [dreg:$0x10]  }
0x1a2: {  	s4 =	rddreg [dreg:$0x1e]  }
0x1a3: {  	[hbm:s1], [sflag:s0] =	dma.local [spmem:s4], $0x400  }
0x1a4: {  	s1 =	rddreg [dreg:$0x11]  }
0x1a5: {  	s4 =	rddreg [dreg:$0x1f]  }
0x1a6: {  	[hbm:s1], [sflag:s0] =	dma.local [spmem:s4], $0x400  }
0x1a7: {  	_ =	swait.ge [sflag:s17], $0x400  }
0x1a8: {  	[sflag:s17] =	ssyncset.done $0x0  }
0x1a9: {  	[sflag:s17] =	ssyncadd.s32 $0xFFFFFC00  }
0x1aa: {  	_ =	swait.ge [sflag:s17], $0x400  }
0x1ab: {  	[sflag:s17] =	ssyncset.done $0x0  }
0x1ac: {  	[sflag:s17] =	ssyncadd.s32 $0xFFFFFC00  }
0x1ad: {  	_ =	swait.ge [sflag:s17], $0x400  }
0x1ae: {  	[sflag:s17] =	ssyncset.done $0x0  }
0x1af: {  	[sflag:s17] =	ssyncadd.s32 $0xFFFFFC00  }
0x1b0: {  	_ =	swait.ge [sflag:s17], $0x400  }
0x1b1: {  	[sflag:s17] =	ssyncset.done $0x0  }
0x1b2: {  	[sflag:s17] =	ssyncadd.s32 $0xFFFFFC00  }
0x1b3: {  	_ =	swait.ge [sflag:s17], $0x400  }
0x1b4: {  	[sflag:s17] =	ssyncset.done $0x0  }
0x1b5: {  	[sflag:s17] =	ssyncadd.s32 $0xFFFFFC00  }
0x1b6: {  	_ =	swait.ge [sflag:s17], $0x400  }
0x1b7: {  	[sflag:s17] =	ssyncset.done $0x0  }
0x1b8: {  	[sflag:s17] =	ssyncadd.s32 $0xFFFFFC00  }
0x1b9: {  	_ =	swait.ge [sflag:s17], $0x400  }
0x1ba: {  	[sflag:s17] =	ssyncset.done $0x0  }
0x1bb: {  	[sflag:s17] =	ssyncadd.s32 $0xFFFFFC00  }
0x1bc: {  	_ =	swait.ge [sflag:s17], $0x400  }
0x1bd: {  	[sflag:s17] =	ssyncset.done $0x0  }
0x1be: {  	[sflag:s17] =	ssyncadd.s32 $0xFFFFFC00  }
0x1bf: {  	_ =	swait.ge [sflag:s17], $0x400  }
.Ltmp5:
0x1c0: {  	[sflag:s17] =	ssyncset.done $0x0;
	(pc) =	sbr.rel .LBB2_7-.Ltmp5, $4  }
0x1c1: {  	[sflag:s17] =	ssyncadd.s32 $0xFFFFFC00  }
0x1c2: {  	_ =	swait.ge [sflag:s17], $0x400  }
0x1c3: {  	[sflag:s17] =	ssyncset.done $0x0  }
0x1c4: {  	[sflag:s17] =	ssyncadd.s32 $0xFFFFFC00  }
.LBB2_8:
0x1c5: {  	_ =	sfence.sel $0x180000  }
0x1c6: {  	[bflag:$0x0] =	sbarrier.arrive $0xFFFF  }
0x1c7: {  	_ =	strace $0x9000004A  }
0x1c8: {  	s0 =	stileid.u32;
	[bflag:$0x2] =	sbarrier.arrive $0xFFFF  }
0x1c9: {  	p0 =	sne.s32 s0, $0x0;
	s0 =	rddreg [dreg:$0x2]  }
0x1ca: {  	s0 =	sadd.s32 @!p0 $0x100000, s0  }
0x1cb: {  	[sflag:s0] =	ssyncadd.tile.s32 @!p0 $0x1;
	_ =	shalt  }
.Lfunc_end2:
_tile_overlayer_lowered:
.L_overlay_start_2:
0x1cc: {  	(tag) =	ssettag $0x2  }
0x1cd: {  	s0 =	rddreg [dreg:$0x0];
	s2 =	stileid.u32  }
0x1ce: {  	s1 =	rddreg [dreg:$0x1];
	p0 =	sne.s32 s2, $0x0  }
0x1cf: {  	s3 =	rddreg [dreg:$0x2];
	[bflag:$0x3] =	sbarrier.arrive $0xFFFF;
	s2 =	simm.s32 @!p0 $0x1C0D  }
0x1d0: {  	[timem:s3], [sflag:s2] =	dma.local @!p0 [hbm:s0], s1  }
0x1d1: {  	s0 =	simm.s32 @!p0 $0xD  }
0x1d2: {  	_ =	swait.ge @!p0 [sflag:s0], s1  }
0x1d3: {  	s1 =	ssub.s32 @!p0 $0x0, s1;
	[sflag:s0] =	ssyncset.done @!p0 $0x0  }
0x1d4: {  	[sflag:s0] =	ssyncadd.s32 @!p0 s1  }
0x1d5: {  	[bflag:$0x3] =	sbarrier.arrive $0xFFFF  }
0x1d6: {  	_ =	shalt  }

</sc_bundles>
